<compile_context>
chip_gen: v7x
topology: tpu7x:2x2x1
jax: 0.10.2.dev20260603
libtpu: 0.0.44.dev20260713+nightly
codegen_flags: <defaults>
</compile_context>

<pallas_src>
import functools

import jax
import jax.numpy as jnp
from jax import lax
from jax.experimental import pallas as pl
from jax.experimental.pallas import tpu as pltpu
from jax.experimental.pallas import tpu_sc as plsc

_M = 1000000
_C = float((1.0 / _M) * (1.0 - 2.0**-22))

_N = 3276800



def _mod_vec(x):
    q = (x.astype(jnp.float32) * jnp.float32(_C)).astype(jnp.int32)
    r = x - q * _M
    ru = lax.bitcast_convert_type(r, jnp.uint32)
    su = lax.bitcast_convert_type(r - _M, jnp.uint32)
    return lax.bitcast_convert_type(jnp.minimum(ru, su), jnp.int32)



_NC, _NS, _L = 2, 16, 16
_NW = _NC * _NS
_PER_W = _N // _NW
_CHUNK = 25600
_NCHUNK = _PER_W // _CHUNK


def _sc_body(src_hbm, dst_hbm, in0, in1, ou0, ou1, ls0, ls1, ss0, ss1):
    wid = lax.axis_index("s") * _NC + lax.axis_index("c")
    base = wid * _PER_W

    inbufs = (in0, in1)
    outbufs = (ou0, ou1)
    lsems = (ls0, ls1)
    ssems = (ss0, ss1)

    def start_load(i):
        return pltpu.async_copy(
            src_hbm.at[pl.ds(base + i * _CHUNK, _CHUNK)],
            inbufs[i % 2], lsems[i % 2])

    def start_store(i):
        return pltpu.async_copy(
            outbufs[i % 2],
            dst_hbm.at[pl.ds(base + i * _CHUNK, _CHUNK)], ssems[i % 2])

    loads = {0: start_load(0), 1: start_load(1)}
    stores = {}
    for i in range(_NCHUNK):
        loads.pop(i).wait()
        if i >= 2:
            stores.pop(i - 2).wait()
        inb = inbufs[i % 2]
        outb = outbufs[i % 2]

        @plsc.parallel_loop(0, _CHUNK, _L, unroll=8)
        def _(v, inb=inb, outb=outb):
            outb[pl.ds(v, _L)] = _mod_vec(inb[pl.ds(v, _L)])

        stores[i] = start_store(i)
        if i + 2 < _NCHUNK:
            loads[i + 2] = start_load(i + 2)
    stores.pop(_NCHUNK - 2).wait()
    stores.pop(_NCHUNK - 1).wait()


_sc_mod = functools.partial(
    pl.kernel,
    out_type=jax.ShapeDtypeStruct((_N,), jnp.int32),
    mesh=plsc.VectorSubcoreMesh(core_axis_name="c", subcore_axis_name="s"),
    scratch_types=(
        pltpu.VMEM((_CHUNK,), jnp.int32),
        pltpu.VMEM((_CHUNK,), jnp.int32),
        pltpu.VMEM((_CHUNK,), jnp.int32),
        pltpu.VMEM((_CHUNK,), jnp.int32),
        pltpu.SemaphoreType.DMA,
        pltpu.SemaphoreType.DMA,
        pltpu.SemaphoreType.DMA,
        pltpu.SemaphoreType.DMA,
    ),
)(_sc_body)



_TC_BLK = 409600


def _mod_vec_tc(x):
    q = (x.astype(jnp.float32) * jnp.float32(_C)).astype(jnp.int32)
    r = x - q * _M
    return jnp.where(r >= _M, r - _M, r)


_NOFF = 16385


def _tc_body(vals_ref, scores_ref, off1_ref, off2_ref,
             vout_ref, sout_ref, o1out_ref, o2out_ref):
    vout_ref[...] = _mod_vec_tc(vals_ref[...])
    sout_ref[...] = scores_ref[...]

    @pl.when(pl.program_id(0) == 0)
    def _():
        o1out_ref[...] = off1_ref[...]
        o2out_ref[...] = off2_ref[...]


_tc_mod_copy = pl.pallas_call(
    _tc_body,
    grid=(_N // _TC_BLK,),
    in_specs=[
        pl.BlockSpec((_TC_BLK,), lambda i: (i,)),
        pl.BlockSpec((_TC_BLK,), lambda i: (i,)),
        pl.BlockSpec((_NOFF,), lambda i: (0,)),
        pl.BlockSpec((_NOFF,), lambda i: (0,)),
    ],
    out_specs=[
        pl.BlockSpec((_TC_BLK,), lambda i: (i,)),
        pl.BlockSpec((_TC_BLK,), lambda i: (i,)),
        pl.BlockSpec((_NOFF,), lambda i: (0,)),
        pl.BlockSpec((_NOFF,), lambda i: (0,)),
    ],
    out_shape=[
        jax.ShapeDtypeStruct((_N,), jnp.int32),
        jax.ShapeDtypeStruct((_N,), jnp.float32),
        jax.ShapeDtypeStruct((_NOFF,), jnp.int32),
        jax.ShapeDtypeStruct((_NOFF,), jnp.int32),
    ],
)


def kernel(id_list_offsets, id_list_values, id_score_list_offsets,
           id_score_list_keys, id_score_list_scores):
    idx_keys = _sc_mod(id_score_list_keys)
    vout, sout, off1, off2 = _tc_mod_copy(
        id_list_values, id_score_list_scores,
        id_list_offsets, id_score_list_offsets)
    return (off1, vout, off2, idx_keys, sout)

# --- scband reference (transcript-rebuilt; emitter-appended) ---
"""Pipeline reference for scband-sparse-preprocessor-60928406061235 (READ-ONLY COPY).

The authoritative reference and input builder live on the scoring server;
editing this copy changes nothing except your own understanding.
"""

import jax, jax.numpy as jnp
import numpy as np

NUM_EMBEDDINGS = 1000000
BATCH = 16384
TOTAL_IDS = 3276800

def setup_inputs(seed: int = 0) -> dict:
    key = jax.random.key(seed)
    k1, k2, k3, k4, k5 = jax.random.split(key, 5)
    id_list_offsets = jnp.sort(jax.random.randint(k1, (BATCH + 1,), 0, TOTAL_IDS, dtype=jnp.int64 if jax.config.jax_enable_x64 else jnp.int32)).astype(jnp.int32)
    id_list_values = jax.random.randint(k2, (TOTAL_IDS,), 0, 1000000000, dtype=jnp.int32)
    id_score_list_offsets = jnp.sort(jax.random.randint(k3, (BATCH + 1,), 0, TOTAL_IDS, dtype=jnp.int32)).astype(jnp.int32)
    id_score_list_keys = jax.random.randint(k4, (TOTAL_IDS,), 0, 1000000000, dtype=jnp.int32)
    id_score_list_scores = jax.random.uniform(k5, (TOTAL_IDS,), dtype=jnp.float32)
    return {
        "id_list_offsets": id_list_offsets,
        "id_list_values": id_list_values,
        "id_score_list_offsets": id_score_list_offsets,
        "id_score_list_keys": id_score_list_keys,
        "id_score_list_scores": id_score_list_scores,
    }

def _map_id_list(raw_values):
    # ModuloMapIDList mapper: raw sparse id -> embedding table index
    return jnp.mod(raw_values, NUM_EMBEDDINGS)

def _map_id_score_list(raw_keys, raw_values):
    # ModuloMapIDScoreList mapper: keys mapped modulo table size, scores passed through
    return jnp.mod(raw_keys, NUM_EMBEDDINGS), raw_values

def reference(id_list_offsets, id_list_values, id_score_list_offsets, id_score_list_keys, id_score_list_scores):
    # preprocess_id_list for feature 'page_id_list'
    idx_values = _map_id_list(id_list_values)
    # preprocess_id_score_list for feature 'ad_id_score_list'
    idx_keys, weights = _map_id_score_list(id_score_list_keys, id_score_list_scores)
    weights = weights.astype(jnp.float32)
    return (id_list_offsets, idx_values, id_score_list_offsets, idx_keys, weights)

if __name__ == "__main__":
    import jax
    _d = setup_inputs()
    print(jax.jit(kernel)(*tuple(_d.values())))

</pallas_src>

<mosaic_0001>
#map = affine_map<(d0, d1) -> (0)>
module attributes {stable_mosaic.version = 14 : i64} {
  func.func @_sc_body(%arg0: i32, %arg1: i32, %arg2: memref<3276800xi32, #tpu.memory_space<hbm>>, %arg3: memref<3276800xi32, #tpu.memory_space<hbm>>, %arg4: memref<25600xi32, #tpu.memory_space<vmem>>, %arg5: memref<25600xi32, #tpu.memory_space<vmem>>, %arg6: memref<25600xi32, #tpu.memory_space<vmem>>, %arg7: memref<25600xi32, #tpu.memory_space<vmem>>, %arg8: memref<!tpu.dma_semaphore, #tpu.memory_space<semaphore_mem>>, %arg9: memref<!tpu.dma_semaphore, #tpu.memory_space<semaphore_mem>>, %arg10: memref<!tpu.dma_semaphore, #tpu.memory_space<semaphore_mem>>, %arg11: memref<!tpu.dma_semaphore, #tpu.memory_space<semaphore_mem>>) attributes {dimension_semantics = [#tpu.dimension_semantics<core_parallel>, #tpu.dimension_semantics<subcore_parallel>], iteration_bounds = array<i64: 2, 16>, scalar_prefetch = 0 : i64, scratch_operands = 8 : i64, tpu.core_type = #tpu.core_type<sc_vector_subcore>, window_params = [{transform_indices = #map}, {transform_indices = #map}]} {
    %mul3A = arith.constant 2 : i32
    %mul3A_0 = arith.muli %arg1, %mul3A : i32
    %add3A = arith.addi %mul3A_0, %arg0 : i32
    %mul3A_1 = arith.constant 102400 : i32
    %mul3A_2 = arith.muli %add3A, %mul3A_1 : i32
    %add3A_3 = arith.constant 0 : i32
    %add3A_4 = arith.addi %mul3A_2, %add3A_3 : i32
    %dma_start3A = tpu.memref_slice %arg2[%add3A_4] : memref<3276800xi32, #tpu.memory_space<hbm>> -> memref<25600xi32, #tpu.memory_space<hbm>>
    %dma_start3A_5 = tpu.memref_slice %arg2[%add3A_4] : memref<3276800xi32, #tpu.memory_space<hbm>> -> memref<25600xi32, #tpu.memory_space<hbm>>
    tpu.enqueue_dma source(%dma_start3A_5 : memref<25600xi32, #tpu.memory_space<hbm>>) target(%arg4 : memref<25600xi32, #tpu.memory_space<vmem>>) target_semaphore(%arg8 : memref<!tpu.dma_semaphore, #tpu.memory_space<semaphore_mem>>)
    %add3A_6 = arith.constant 25600 : i32
    %add3A_7 = arith.addi %mul3A_2, %add3A_6 : i32
    %dma_start3A_8 = tpu.memref_slice %arg2[%add3A_7] : memref<3276800xi32, #tpu.memory_space<hbm>> -> memref<25600xi32, #tpu.memory_space<hbm>>
    %dma_start3A_9 = tpu.memref_slice %arg2[%add3A_7] : memref<3276800xi32, #tpu.memory_space<hbm>> -> memref<25600xi32, #tpu.memory_space<hbm>>
    tpu.enqueue_dma source(%dma_start3A_9 : memref<25600xi32, #tpu.memory_space<hbm>>) target(%arg5 : memref<25600xi32, #tpu.memory_space<vmem>>) target_semaphore(%arg9 : memref<!tpu.dma_semaphore, #tpu.memory_space<semaphore_mem>>)
    %dma_wait3A = tpu.memref_slice %arg2[%add3A_4] : memref<3276800xi32, #tpu.memory_space<hbm>> -> memref<25600xi32, #tpu.memory_space<hbm>>
    %dma_wait3A_10 = tpu.memref_slice %arg2[%add3A_4] : memref<3276800xi32, #tpu.memory_space<hbm>> -> memref<25600xi32, #tpu.memory_space<hbm>>
    tpu.wait_dma2 semaphore(%arg8 : memref<!tpu.dma_semaphore, #tpu.memory_space<semaphore_mem>>) src(%dma_wait3A_10 : memref<25600xi32, #tpu.memory_space<hbm>>) dst(%arg4 : memref<25600xi32, #tpu.memory_space<vmem>>)
    %parallel_loop3A = arith.constant 0 : i32
    %parallel_loop3A_11 = arith.constant 25600 : i32
    %parallel_loop3A_12 = arith.constant 16 : i32
    scf.for %parallel_loop3A_60 = %parallel_loop3A to %parallel_loop3A_11 step %parallel_loop3A_12  : i32 {
      %parallel_loop3A_61 = arith.index_cast %parallel_loop3A_60 : i32 to index
      %parallel_loop3A_62 = tpu.vector_load %arg4[%parallel_loop3A_61] {strides = array<i32>} : memref<25600xi32, #tpu.memory_space<vmem>>, vector<16xi32>,
      %parallel_loop3A_63 = vector.shape_cast %parallel_loop3A_62 : vector<16xi32> to vector<16xi32>
      %parallel_loop3A_64 = arith.sitofp %parallel_loop3A_63 : vector<16xi32> to vector<16xf32>
      %parallel_loop3A_65 = arith.constant 9.9999977E-7 : f32
      %parallel_loop3A_66 = vector.broadcast %parallel_loop3A_65 : f32 to vector<16xf32>
      %parallel_loop3A_67 = arith.mulf %parallel_loop3A_64, %parallel_loop3A_66 : vector<16xf32>
      %parallel_loop3A_68 = arith.fptosi %parallel_loop3A_67 : vector<16xf32> to vector<16xi32>
      %parallel_loop3A_69 = arith.constant 1000000 : i32
      %parallel_loop3A_70 = vector.broadcast %parallel_loop3A_69 : i32 to vector<16xi32>
      %parallel_loop3A_71 = arith.muli %parallel_loop3A_68, %parallel_loop3A_70 : vector<16xi32>
      %parallel_loop3A_72 = arith.subi %parallel_loop3A_63, %parallel_loop3A_71 : vector<16xi32>
      %parallel_loop3A_73 = tpu.bitcast %parallel_loop3A_72 : vector<16xi32> -> vector<16xi32>
      %parallel_loop3A_74 = arith.constant 1000000 : i32
      %parallel_loop3A_75 = vector.broadcast %parallel_loop3A_74 : i32 to vector<16xi32>
      %parallel_loop3A_76 = arith.subi %parallel_loop3A_72, %parallel_loop3A_75 : vector<16xi32>
      %parallel_loop3A_77 = tpu.bitcast %parallel_loop3A_76 : vector<16xi32> -> vector<16xi32>
      %parallel_loop3A_78 = arith.minui %parallel_loop3A_73, %parallel_loop3A_77 : vector<16xi32>
      %parallel_loop3A_79 = tpu.bitcast %parallel_loop3A_78 : vector<16xi32> -> vector<16xi32>
      %parallel_loop3A_80 = arith.index_cast %parallel_loop3A_60 : i32 to index
      %parallel_loop3A_81 = tpu.vector_load %arg6[%parallel_loop3A_80] {strides = array<i32>} : memref<25600xi32, #tpu.memory_space<vmem>>, vector<16xi32>,
      %parallel_loop3A_82 = vector.shape_cast %parallel_loop3A_81 : vector<16xi32> to vector<16xi32>
      %parallel_loop3A_83 = vector.shape_cast %parallel_loop3A_79 : vector<16xi32> to vector<16xi32>
      tpu.vector_store %arg6[%parallel_loop3A_80], %parallel_loop3A_83 {strides = array<i32>} : memref<25600xi32, #tpu.memory_space<vmem>>, vector<16xi32>,
    } {sc.loop_unroll_factor = 8 : i64, sc.parallel_access}
    %add3A_13 = arith.constant 0 : i32
    %add3A_14 = arith.addi %mul3A_2, %add3A_13 : i32
    %dma_start3A_15 = tpu.memref_slice %arg3[%add3A_14] : memref<3276800xi32, #tpu.memory_space<hbm>> -> memref<25600xi32, #tpu.memory_space<hbm>>
    %dma_start3A_16 = tpu.memref_slice %arg3[%add3A_14] : memref<3276800xi32, #tpu.memory_space<hbm>> -> memref<25600xi32, #tpu.memory_space<hbm>>
    tpu.enqueue_dma source(%arg6 : memref<25600xi32, #tpu.memory_space<vmem>>) target(%dma_start3A_16 : memref<25600xi32, #tpu.memory_space<hbm>>) target_semaphore(%arg10 : memref<!tpu.dma_semaphore, #tpu.memory_space<semaphore_mem>>)
    %add3A_17 = arith.constant 51200 : i32
    %add3A_18 = arith.addi %mul3A_2, %add3A_17 : i32
    %dma_start3A_19 = tpu.memref_slice %arg2[%add3A_18] : memref<3276800xi32, #tpu.memory_space<hbm>> -> memref<25600xi32, #tpu.memory_space<hbm>>
    %dma_start3A_20 = tpu.memref_slice %arg2[%add3A_18] : memref<3276800xi32, #tpu.memory_space<hbm>> -> memref<25600xi32, #tpu.memory_space<hbm>>
    tpu.enqueue_dma source(%dma_start3A_20 : memref<25600xi32, #tpu.memory_space<hbm>>) target(%arg4 : memref<25600xi32, #tpu.memory_space<vmem>>) target_semaphore(%arg8 : memref<!tpu.dma_semaphore, #tpu.memory_space<semaphore_mem>>)
    %dma_wait3A_21 = tpu.memref_slice %arg2[%add3A_7] : memref<3276800xi32, #tpu.memory_space<hbm>> -> memref<25600xi32, #tpu.memory_space<hbm>>
    %dma_wait3A_22 = tpu.memref_slice %arg2[%add3A_7] : memref<3276800xi32, #tpu.memory_space<hbm>> -> memref<25600xi32, #tpu.memory_space<hbm>>
    tpu.wait_dma2 semaphore(%arg9 : memref<!tpu.dma_semaphore, #tpu.memory_space<semaphore_mem>>) src(%dma_wait3A_22 : memref<25600xi32, #tpu.memory_space<hbm>>) dst(%arg5 : memref<25600xi32, #tpu.memory_space<vmem>>)
    %parallel_loop3A_23 = arith.constant 0 : i32
    %parallel_loop3A_24 = arith.constant 25600 : i32
    %parallel_loop3A_25 = arith.constant 16 : i32
    scf.for %parallel_loop3A_60 = %parallel_loop3A_23 to %parallel_loop3A_24 step %parallel_loop3A_25  : i32 {
      %parallel_loop3A_61 = arith.index_cast %parallel_loop3A_60 : i32 to index
      %parallel_loop3A_62 = tpu.vector_load %arg5[%parallel_loop3A_61] {strides = array<i32>} : memref<25600xi32, #tpu.memory_space<vmem>>, vector<16xi32>,
      %parallel_loop3A_63 = vector.shape_cast %parallel_loop3A_62 : vector<16xi32> to vector<16xi32>
      %parallel_loop3A_64 = arith.sitofp %parallel_loop3A_63 : vector<16xi32> to vector<16xf32>
      %parallel_loop3A_65 = arith.constant 9.9999977E-7 : f32
      %parallel_loop3A_66 = vector.broadcast %parallel_loop3A_65 : f32 to vector<16xf32>
      %parallel_loop3A_67 = arith.mulf %parallel_loop3A_64, %parallel_loop3A_66 : vector<16xf32>
      %parallel_loop3A_68 = arith.fptosi %parallel_loop3A_67 : vector<16xf32> to vector<16xi32>
      %parallel_loop3A_69 = arith.constant 1000000 : i32
      %parallel_loop3A_70 = vector.broadcast %parallel_loop3A_69 : i32 to vector<16xi32>
      %parallel_loop3A_71 = arith.muli %parallel_loop3A_68, %parallel_loop3A_70 : vector<16xi32>
      %parallel_loop3A_72 = arith.subi %parallel_loop3A_63, %parallel_loop3A_71 : vector<16xi32>
      %parallel_loop3A_73 = tpu.bitcast %parallel_loop3A_72 : vector<16xi32> -> vector<16xi32>
      %parallel_loop3A_74 = arith.constant 1000000 : i32
      %parallel_loop3A_75 = vector.broadcast %parallel_loop3A_74 : i32 to vector<16xi32>
      %parallel_loop3A_76 = arith.subi %parallel_loop3A_72, %parallel_loop3A_75 : vector<16xi32>
      %parallel_loop3A_77 = tpu.bitcast %parallel_loop3A_76 : vector<16xi32> -> vector<16xi32>
      %parallel_loop3A_78 = arith.minui %parallel_loop3A_73, %parallel_loop3A_77 : vector<16xi32>
      %parallel_loop3A_79 = tpu.bitcast %parallel_loop3A_78 : vector<16xi32> -> vector<16xi32>
      %parallel_loop3A_80 = arith.index_cast %parallel_loop3A_60 : i32 to index
      %parallel_loop3A_81 = tpu.vector_load %arg7[%parallel_loop3A_80] {strides = array<i32>} : memref<25600xi32, #tpu.memory_space<vmem>>, vector<16xi32>,
      %parallel_loop3A_82 = vector.shape_cast %parallel_loop3A_81 : vector<16xi32> to vector<16xi32>
      %parallel_loop3A_83 = vector.shape_cast %parallel_loop3A_79 : vector<16xi32> to vector<16xi32>
      tpu.vector_store %arg7[%parallel_loop3A_80], %parallel_loop3A_83 {strides = array<i32>} : memref<25600xi32, #tpu.memory_space<vmem>>, vector<16xi32>,
    } {sc.loop_unroll_factor = 8 : i64, sc.parallel_access}
    %add3A_26 = arith.constant 25600 : i32
    %add3A_27 = arith.addi %mul3A_2, %add3A_26 : i32
    %dma_start3A_28 = tpu.memref_slice %arg3[%add3A_27] : memref<3276800xi32, #tpu.memory_space<hbm>> -> memref<25600xi32, #tpu.memory_space<hbm>>
    %dma_start3A_29 = tpu.memref_slice %arg3[%add3A_27] : memref<3276800xi32, #tpu.memory_space<hbm>> -> memref<25600xi32, #tpu.memory_space<hbm>>
    tpu.enqueue_dma source(%arg7 : memref<25600xi32, #tpu.memory_space<vmem>>) target(%dma_start3A_29 : memref<25600xi32, #tpu.memory_space<hbm>>) target_semaphore(%arg11 : memref<!tpu.dma_semaphore, #tpu.memory_space<semaphore_mem>>)
    %add3A_30 = arith.constant 76800 : i32
    %add3A_31 = arith.addi %mul3A_2, %add3A_30 : i32
    %dma_start3A_32 = tpu.memref_slice %arg2[%add3A_31] : memref<3276800xi32, #tpu.memory_space<hbm>> -> memref<25600xi32, #tpu.memory_space<hbm>>
    %dma_start3A_33 = tpu.memref_slice %arg2[%add3A_31] : memref<3276800xi32, #tpu.memory_space<hbm>> -> memref<25600xi32, #tpu.memory_space<hbm>>
    tpu.enqueue_dma source(%dma_start3A_33 : memref<25600xi32, #tpu.memory_space<hbm>>) target(%arg5 : memref<25600xi32, #tpu.memory_space<vmem>>) target_semaphore(%arg9 : memref<!tpu.dma_semaphore, #tpu.memory_space<semaphore_mem>>)
    %dma_wait3A_34 = tpu.memref_slice %arg2[%add3A_18] : memref<3276800xi32, #tpu.memory_space<hbm>> -> memref<25600xi32, #tpu.memory_space<hbm>>
    %dma_wait3A_35 = tpu.memref_slice %arg2[%add3A_18] : memref<3276800xi32, #tpu.memory_space<hbm>> -> memref<25600xi32, #tpu.memory_space<hbm>>
    tpu.wait_dma2 semaphore(%arg8 : memref<!tpu.dma_semaphore, #tpu.memory_space<semaphore_mem>>) src(%dma_wait3A_35 : memref<25600xi32, #tpu.memory_space<hbm>>) dst(%arg4 : memref<25600xi32, #tpu.memory_space<vmem>>)
    %dma_wait3A_36 = tpu.memref_slice %arg3[%add3A_14] : memref<3276800xi32, #tpu.memory_space<hbm>> -> memref<25600xi32, #tpu.memory_space<hbm>>
    %dma_wait3A_37 = tpu.memref_slice %arg3[%add3A_14] : memref<3276800xi32, #tpu.memory_space<hbm>> -> memref<25600xi32, #tpu.memory_space<hbm>>
    tpu.wait_dma2 semaphore(%arg10 : memref<!tpu.dma_semaphore, #tpu.memory_space<semaphore_mem>>) src(%arg6 : memref<25600xi32, #tpu.memory_space<vmem>>) dst(%dma_wait3A_37 : memref<25600xi32, #tpu.memory_space<hbm>>)
    %parallel_loop3A_38 = arith.constant 0 : i32
    %parallel_loop3A_39 = arith.constant 25600 : i32
    %parallel_loop3A_40 = arith.constant 16 : i32
    scf.for %parallel_loop3A_60 = %parallel_loop3A_38 to %parallel_loop3A_39 step %parallel_loop3A_40  : i32 {
      %parallel_loop3A_61 = arith.index_cast %parallel_loop3A_60 : i32 to index
      %parallel_loop3A_62 = tpu.vector_load %arg4[%parallel_loop3A_61] {strides = array<i32>} : memref<25600xi32, #tpu.memory_space<vmem>>, vector<16xi32>,
      %parallel_loop3A_63 = vector.shape_cast %parallel_loop3A_62 : vector<16xi32> to vector<16xi32>
      %parallel_loop3A_64 = arith.sitofp %parallel_loop3A_63 : vector<16xi32> to vector<16xf32>
      %parallel_loop3A_65 = arith.constant 9.9999977E-7 : f32
      %parallel_loop3A_66 = vector.broadcast %parallel_loop3A_65 : f32 to vector<16xf32>
      %parallel_loop3A_67 = arith.mulf %parallel_loop3A_64, %parallel_loop3A_66 : vector<16xf32>
      %parallel_loop3A_68 = arith.fptosi %parallel_loop3A_67 : vector<16xf32> to vector<16xi32>
      %parallel_loop3A_69 = arith.constant 1000000 : i32
      %parallel_loop3A_70 = vector.broadcast %parallel_loop3A_69 : i32 to vector<16xi32>
      %parallel_loop3A_71 = arith.muli %parallel_loop3A_68, %parallel_loop3A_70 : vector<16xi32>
      %parallel_loop3A_72 = arith.subi %parallel_loop3A_63, %parallel_loop3A_71 : vector<16xi32>
      %parallel_loop3A_73 = tpu.bitcast %parallel_loop3A_72 : vector<16xi32> -> vector<16xi32>
      %parallel_loop3A_74 = arith.constant 1000000 : i32
      %parallel_loop3A_75 = vector.broadcast %parallel_loop3A_74 : i32 to vector<16xi32>
      %parallel_loop3A_76 = arith.subi %parallel_loop3A_72, %parallel_loop3A_75 : vector<16xi32>
      %parallel_loop3A_77 = tpu.bitcast %parallel_loop3A_76 : vector<16xi32> -> vector<16xi32>
      %parallel_loop3A_78 = arith.minui %parallel_loop3A_73, %parallel_loop3A_77 : vector<16xi32>
      %parallel_loop3A_79 = tpu.bitcast %parallel_loop3A_78 : vector<16xi32> -> vector<16xi32>
      %parallel_loop3A_80 = arith.index_cast %parallel_loop3A_60 : i32 to index
      %parallel_loop3A_81 = tpu.vector_load %arg6[%parallel_loop3A_80] {strides = array<i32>} : memref<25600xi32, #tpu.memory_space<vmem>>, vector<16xi32>,
      %parallel_loop3A_82 = vector.shape_cast %parallel_loop3A_81 : vector<16xi32> to vector<16xi32>
      %parallel_loop3A_83 = vector.shape_cast %parallel_loop3A_79 : vector<16xi32> to vector<16xi32>
      tpu.vector_store %arg6[%parallel_loop3A_80], %parallel_loop3A_83 {strides = array<i32>} : memref<25600xi32, #tpu.memory_space<vmem>>, vector<16xi32>,
    } {sc.loop_unroll_factor = 8 : i64, sc.parallel_access}
    %add3A_41 = arith.constant 51200 : i32
    %add3A_42 = arith.addi %mul3A_2, %add3A_41 : i32
    %dma_start3A_43 = tpu.memref_slice %arg3[%add3A_42] : memref<3276800xi32, #tpu.memory_space<hbm>> -> memref<25600xi32, #tpu.memory_space<hbm>>
    %dma_start3A_44 = tpu.memref_slice %arg3[%add3A_42] : memref<3276800xi32, #tpu.memory_space<hbm>> -> memref<25600xi32, #tpu.memory_space<hbm>>
    tpu.enqueue_dma source(%arg6 : memref<25600xi32, #tpu.memory_space<vmem>>) target(%dma_start3A_44 : memref<25600xi32, #tpu.memory_space<hbm>>) target_semaphore(%arg10 : memref<!tpu.dma_semaphore, #tpu.memory_space<semaphore_mem>>)
    %dma_wait3A_45 = tpu.memref_slice %arg2[%add3A_31] : memref<3276800xi32, #tpu.memory_space<hbm>> -> memref<25600xi32, #tpu.memory_space<hbm>>
    %dma_wait3A_46 = tpu.memref_slice %arg2[%add3A_31] : memref<3276800xi32, #tpu.memory_space<hbm>> -> memref<25600xi32, #tpu.memory_space<hbm>>
    tpu.wait_dma2 semaphore(%arg9 : memref<!tpu.dma_semaphore, #tpu.memory_space<semaphore_mem>>) src(%dma_wait3A_46 : memref<25600xi32, #tpu.memory_space<hbm>>) dst(%arg5 : memref<25600xi32, #tpu.memory_space<vmem>>)
    %dma_wait3A_47 = tpu.memref_slice %arg3[%add3A_27] : memref<3276800xi32, #tpu.memory_space<hbm>> -> memref<25600xi32, #tpu.memory_space<hbm>>
    %dma_wait3A_48 = tpu.memref_slice %arg3[%add3A_27] : memref<3276800xi32, #tpu.memory_space<hbm>> -> memref<25600xi32, #tpu.memory_space<hbm>>
    tpu.wait_dma2 semaphore(%arg11 : memref<!tpu.dma_semaphore, #tpu.memory_space<semaphore_mem>>) src(%arg7 : memref<25600xi32, #tpu.memory_space<vmem>>) dst(%dma_wait3A_48 : memref<25600xi32, #tpu.memory_space<hbm>>)
    %parallel_loop3A_49 = arith.constant 0 : i32
    %parallel_loop3A_50 = arith.constant 25600 : i32
    %parallel_loop3A_51 = arith.constant 16 : i32
    scf.for %parallel_loop3A_60 = %parallel_loop3A_49 to %parallel_loop3A_50 step %parallel_loop3A_51  : i32 {
      %parallel_loop3A_61 = arith.index_cast %parallel_loop3A_60 : i32 to index
      %parallel_loop3A_62 = tpu.vector_load %arg5[%parallel_loop3A_61] {strides = array<i32>} : memref<25600xi32, #tpu.memory_space<vmem>>, vector<16xi32>,
      %parallel_loop3A_63 = vector.shape_cast %parallel_loop3A_62 : vector<16xi32> to vector<16xi32>
      %parallel_loop3A_64 = arith.sitofp %parallel_loop3A_63 : vector<16xi32> to vector<16xf32>
      %parallel_loop3A_65 = arith.constant 9.9999977E-7 : f32
      %parallel_loop3A_66 = vector.broadcast %parallel_loop3A_65 : f32 to vector<16xf32>
      %parallel_loop3A_67 = arith.mulf %parallel_loop3A_64, %parallel_loop3A_66 : vector<16xf32>
      %parallel_loop3A_68 = arith.fptosi %parallel_loop3A_67 : vector<16xf32> to vector<16xi32>
      %parallel_loop3A_69 = arith.constant 1000000 : i32
      %parallel_loop3A_70 = vector.broadcast %parallel_loop3A_69 : i32 to vector<16xi32>
      %parallel_loop3A_71 = arith.muli %parallel_loop3A_68, %parallel_loop3A_70 : vector<16xi32>
      %parallel_loop3A_72 = arith.subi %parallel_loop3A_63, %parallel_loop3A_71 : vector<16xi32>
      %parallel_loop3A_73 = tpu.bitcast %parallel_loop3A_72 : vector<16xi32> -> vector<16xi32>
      %parallel_loop3A_74 = arith.constant 1000000 : i32
      %parallel_loop3A_75 = vector.broadcast %parallel_loop3A_74 : i32 to vector<16xi32>
      %parallel_loop3A_76 = arith.subi %parallel_loop3A_72, %parallel_loop3A_75 : vector<16xi32>
      %parallel_loop3A_77 = tpu.bitcast %parallel_loop3A_76 : vector<16xi32> -> vector<16xi32>
      %parallel_loop3A_78 = arith.minui %parallel_loop3A_73, %parallel_loop3A_77 : vector<16xi32>
      %parallel_loop3A_79 = tpu.bitcast %parallel_loop3A_78 : vector<16xi32> -> vector<16xi32>
      %parallel_loop3A_80 = arith.index_cast %parallel_loop3A_60 : i32 to index
      %parallel_loop3A_81 = tpu.vector_load %arg7[%parallel_loop3A_80] {strides = array<i32>} : memref<25600xi32, #tpu.memory_space<vmem>>, vector<16xi32>,
      %parallel_loop3A_82 = vector.shape_cast %parallel_loop3A_81 : vector<16xi32> to vector<16xi32>
      %parallel_loop3A_83 = vector.shape_cast %parallel_loop3A_79 : vector<16xi32> to vector<16xi32>
      tpu.vector_store %arg7[%parallel_loop3A_80], %parallel_loop3A_83 {strides = array<i32>} : memref<25600xi32, #tpu.memory_space<vmem>>, vector<16xi32>,
    } {sc.loop_unroll_factor = 8 : i64, sc.parallel_access}
    %add3A_52 = arith.constant 76800 : i32
    %add3A_53 = arith.addi %mul3A_2, %add3A_52 : i32
    %dma_start3A_54 = tpu.memref_slice %arg3[%add3A_53] : memref<3276800xi32, #tpu.memory_space<hbm>> -> memref<25600xi32, #tpu.memory_space<hbm>>
    %dma_start3A_55 = tpu.memref_slice %arg3[%add3A_53] : memref<3276800xi32, #tpu.memory_space<hbm>> -> memref<25600xi32, #tpu.memory_space<hbm>>
    tpu.enqueue_dma source(%arg7 : memref<25600xi32, #tpu.memory_space<vmem>>) target(%dma_start3A_55 : memref<25600xi32, #tpu.memory_space<hbm>>) target_semaphore(%arg11 : memref<!tpu.dma_semaphore, #tpu.memory_space<semaphore_mem>>)
    %dma_wait3A_56 = tpu.memref_slice %arg3[%add3A_42] : memref<3276800xi32, #tpu.memory_space<hbm>> -> memref<25600xi32, #tpu.memory_space<hbm>>
    %dma_wait3A_57 = tpu.memref_slice %arg3[%add3A_42] : memref<3276800xi32, #tpu.memory_space<hbm>> -> memref<25600xi32, #tpu.memory_space<hbm>>
    tpu.wait_dma2 semaphore(%arg10 : memref<!tpu.dma_semaphore, #tpu.memory_space<semaphore_mem>>) src(%arg6 : memref<25600xi32, #tpu.memory_space<vmem>>) dst(%dma_wait3A_57 : memref<25600xi32, #tpu.memory_space<hbm>>)
    %dma_wait3A_58 = tpu.memref_slice %arg3[%add3A_53] : memref<3276800xi32, #tpu.memory_space<hbm>> -> memref<25600xi32, #tpu.memory_space<hbm>>
    %dma_wait3A_59 = tpu.memref_slice %arg3[%add3A_53] : memref<3276800xi32, #tpu.memory_space<hbm>> -> memref<25600xi32, #tpu.memory_space<hbm>>
    tpu.wait_dma2 semaphore(%arg11 : memref<!tpu.dma_semaphore, #tpu.memory_space<semaphore_mem>>) src(%arg7 : memref<25600xi32, #tpu.memory_space<vmem>>) dst(%dma_wait3A_59 : memref<25600xi32, #tpu.memory_space<hbm>>)
    return
  }
}

module attributes {stable_mosaic.version = 14 : i64} {
  func.func @_tc_body(%arg0: i32, %arg1: memref<409600xi32, #tpu.memory_space<vmem>>, %arg2: memref<409600xf32, #tpu.memory_space<vmem>>, %arg3: memref<16385xi32, #tpu.memory_space<vmem>>, %arg4: memref<16385xi32, #tpu.memory_space<vmem>>, %arg5: memref<409600xi32, #tpu.memory_space<vmem>>, %arg6: memref<409600xf32, #tpu.memory_space<vmem>>, %arg7: memref<16385xi32, #tpu.memory_space<vmem>>, %arg8: memref<16385xi32, #tpu.memory_space<vmem>>) attributes {dimension_semantics = [#tpu.dimension_semantics<arbitrary>], iteration_bounds = array<i64: 8>, scalar_prefetch = 0 : i64, scratch_operands = 0 : i64, tpu.core_type = #tpu.core_type<tc>, window_params = [{transform_indices = @transform_0, window_bounds = array<i64: 409600>}, {transform_indices = @transform_1, window_bounds = array<i64: 409600>}, {pipeline_mode = #tpu.pipeline_mode<synchronous>, transform_indices = @transform_2, window_bounds = array<i64: 16385>}, {pipeline_mode = #tpu.pipeline_mode<synchronous>, transform_indices = @transform_3, window_bounds = array<i64: 16385>}, {transform_indices = @transform_4, window_bounds = array<i64: 409600>}, {transform_indices = @transform_5, window_bounds = array<i64: 409600>}, {pipeline_mode = #tpu.pipeline_mode<synchronous>, transform_indices = @transform_6, window_bounds = array<i64: 16385>}, {pipeline_mode = #tpu.pipeline_mode<synchronous>, transform_indices = @transform_7, window_bounds = array<i64: 16385>}]} {
    %get3A = arith.constant 0 : index
    %get3A_0 = vector.load %arg1[%get3A] : memref<409600xi32, #tpu.memory_space<vmem>>, vector<409600xi32>
    %convert_element_type3A = arith.sitofp %get3A_0 : vector<409600xi32> to vector<409600xf32>
    %mul3A = arith.constant 9.9999977E-7 : f32
    %mul3A_1 = vector.broadcast %mul3A : f32 to vector<409600xf32>
    %mul3A_2 = arith.mulf %convert_element_type3A, %mul3A_1 : vector<409600xf32>
    %convert_element_type3A_3 = arith.fptosi %mul3A_2 : vector<409600xf32> to vector<409600xi32>
    %mul3A_4 = arith.constant 1000000 : i32
    %mul3A_5 = vector.broadcast %mul3A_4 : i32 to vector<409600xi32>
    %mul3A_6 = arith.muli %convert_element_type3A_3, %mul3A_5 : vector<409600xi32>
    %sub3A = arith.subi %get3A_0, %mul3A_6 : vector<409600xi32>
    %ge3A = arith.constant 1000000 : i32
    %ge3A_7 = vector.broadcast %ge3A : i32 to vector<409600xi32>
    %ge3A_8 = arith.cmpi sge, %sub3A, %ge3A_7 : vector<409600xi32>
    %sub3A_9 = arith.constant 1000000 : i32
    %sub3A_10 = vector.broadcast %sub3A_9 : i32 to vector<409600xi32>
    %sub3A_11 = arith.subi %sub3A, %sub3A_10 : vector<409600xi32>
    %select_n3A = arith.select %ge3A_8, %sub3A_11, %sub3A : vector<409600xi1>, vector<409600xi32>
    %swap3A = arith.constant 0 : index
    %swap3A_12 = vector.load %arg5[%swap3A] : memref<409600xi32, #tpu.memory_space<vmem>>, vector<409600xi32>
    tpu.vector_store %arg5[%swap3A], %select_n3A {strides = array<i32>} : memref<409600xi32, #tpu.memory_space<vmem>>, vector<409600xi32>,
    %get3A_13 = arith.constant 0 : index
    %get3A_14 = vector.load %arg2[%get3A_13] : memref<409600xf32, #tpu.memory_space<vmem>>, vector<409600xf32>
    %swap3A_15 = arith.constant 0 : index
    %swap3A_16 = vector.load %arg6[%swap3A_15] : memref<409600xf32, #tpu.memory_space<vmem>>, vector<409600xf32>
    tpu.vector_store %arg6[%swap3A_15], %get3A_14 {strides = array<i32>} : memref<409600xf32, #tpu.memory_space<vmem>>, vector<409600xf32>,
    %eq3A = arith.constant 0 : i32
    %eq3A_17 = arith.cmpi eq, %arg0, %eq3A : i32
    %convert_element_type3A_18 = arith.extui %eq3A_17 : i1 to i32
    %cond3A = arith.constant 0 : i32
    %cond3A_19 = arith.cmpi ne, %convert_element_type3A_18, %cond3A : i32
    scf.if %cond3A_19 {
      %get3A_20 = arith.constant 0 : index
      %get3A_21 = vector.load %arg3[%get3A_20] : memref<16385xi32, #tpu.memory_space<vmem>>, vector<16385xi32>
      %swap3A_22 = arith.constant 0 : index
      %swap3A_23 = vector.load %arg7[%swap3A_22] : memref<16385xi32, #tpu.memory_space<vmem>>, vector<16385xi32>
      tpu.vector_store %arg7[%swap3A_22], %get3A_21 {strides = array<i32>} : memref<16385xi32, #tpu.memory_space<vmem>>, vector<16385xi32>,
      %get3A_24 = arith.constant 0 : index
      %get3A_25 = vector.load %arg4[%get3A_24] : memref<16385xi32, #tpu.memory_space<vmem>>, vector<16385xi32>
      %swap3A_26 = arith.constant 0 : index
      %swap3A_27 = vector.load %arg8[%swap3A_26] : memref<16385xi32, #tpu.memory_space<vmem>>, vector<16385xi32>
      tpu.vector_store %arg8[%swap3A_26], %get3A_25 {strides = array<i32>} : memref<16385xi32, #tpu.memory_space<vmem>>, vector<16385xi32>,
    } else {
    }
    return
  }
  func.func @transform_0(%arg0: i32) -> i32 {
    %c0_i32 = arith.constant 0 : i32
    return %arg0 : i32
  }
  func.func @transform_1(%arg0: i32) -> i32 {
    %c0_i32 = arith.constant 0 : i32
    return %arg0 : i32
  }
  func.func @transform_2(%arg0: i32) -> i32 {
    %c0_i32 = arith.constant 0 : i32
    %c0_i32_0 = arith.constant 0 : i32
    return %c0_i32 : i32
  }
  func.func @transform_3(%arg0: i32) -> i32 {
    %c0_i32 = arith.constant 0 : i32
    %c0_i32_0 = arith.constant 0 : i32
    return %c0_i32 : i32
  }
  func.func @transform_4(%arg0: i32) -> i32 {
    %c0_i32 = arith.constant 0 : i32
    return %arg0 : i32
  }
  func.func @transform_5(%arg0: i32) -> i32 {
    %c0_i32 = arith.constant 0 : i32
    return %arg0 : i32
  }
  func.func @transform_6(%arg0: i32) -> i32 {
    %c0_i32 = arith.constant 0 : i32
    %c0_i32_0 = arith.constant 0 : i32
    return %c0_i32 : i32
  }
  func.func @transform_7(%arg0: i32) -> i32 {
    %c0_i32 = arith.constant 0 : i32
    %c0_i32_0 = arith.constant 0 : i32
    return %c0_i32 : i32
  }
}

</mosaic_0001>

<sc_bundles>
// kernel: kernel.4.cloned.1.call-start
scs
__scs_entry_jumppad:
0x0: {  	(pc) =	sbr.rel $0x88, $3  }
0x1: {  	(tag) =	ssettag $0x0;
	lr =	simm.s32 $0x1  }
0x2: {  	[smem:$0x3F9C] =	sst lr;
	_ =	strace $0xD0000000  }
0x3: {  	_ = 	snop  }
0x4: {  	_ = 	snop  }
0x5: {  	_ = 	snop  }
0x6: {  	_ = 	snop  }
0x7: {  	_ = 	snop  }
__scs_overlays_trampoline_lowered:
0x8: {  	[smem:$0x3FAB] =	sst s0  }
0x9: {  	[smem:$0x3FAC] =	sst s1  }
0xa: {  	[smem:$0x3FAD] =	sst s2  }
0xb: {  	[smem:$0x3FAE] =	sst s3  }
0xc: {  	[smem:$0x3FAF] =	sst s4  }
0xd: {  	[smem:$0x3FB0] =	sst s5  }
0xe: {  	[smem:$0x3FB1] =	sst s6  }
0xf: {  	[smem:$0x3FB2] =	sst s7  }
0x10: {  	[smem:$0x3FB3] =	sst s8  }
0x11: {  	[smem:$0x3FB4] =	sst s9;
	s0 =	simm.s32 @!p0 $0x0  }
0x12: {  	s1 =	sld [smem:$0x3F9A];
	s0 =	simm.s32 @p0 $0x1  }
0x13: {  	[smem:$0x3FB5] =	sst s0;
	s0 =	simm.s32 @!p1 $0x0  }
0x14: {  	s2 =	sld [smem:$0x3F99];
	s0 =	simm.s32 @p1 $0x1  }
0x15: {  	[smem:$0x3FB6] =	sst s0;
	s0 =	simm.s32 @!p2 $0x0  }
0x16: {  	s3 =	sld [smem:$0x3FDB];
	s0 =	simm.s32 @p2 $0x1  }
0x17: {  	s4 =	simm.s32 $0x1BF5;
	[smem:$0x3FB8] =	sst s0  }
0x18: {  	s0 =	sld [smem:$0x3F9B];
	_ =	swait.ge [sflag:s4], $0x0  }
0x19: {  	s7 =	sld [smem:$0x3F9C]  }
0x1a: {  	s8 =	sadd.s32 $0xFFFFE003, lr  }
0x1b: {  	s9 =	sadd.s32 $0xFFFFFEF7, lr;
	s5 =	simm.s32 $0xFFFFFFFF;
	p2 =	slt.u32 s8, $0xFFFFF086  }
0x1c: {  	p1 =	slt.u32 s9, $0xF7A;
	s5 =	simm.s32 @!p2 $0x0  }
0x1d: {  	s5 =	simm.s32 @p1 $0x1;
	p0 =	seq.s32 s7, s2  }
0x1e: {  	s7 =	smul.u32 @!p0 $0xF7A, s2;
	p2 =	seq.s32 @!p0 s5, $0x0  }
0x1f: {  	s9 =	smul.u32 $0xF7A, s1;
	s8 =	simm.s32 @!p0 $0x1BF5;
	p2 =	por !p2, p0  }
0x20: {  	[sflag:s8] =	ssyncset.s32 @!p0 $0xFFFFF086;
	s6 =	sadd.s32 @!p0 s3, s7;
	s7 =	simm.s32 @!p0 $0x108  }
0x21: {  	s3 =	sadd.s32 s3, s9;
	s6 =	sadd.s32 @!p0 $0x88, s6;
	s7 =	simm.s32 @p2 $0x1082  }
0x22: {  	[simem:s7], [sflag:s8] =	dma.local @!p0 [hbm:s6], $0xF7A  }
0x23: {  	s9 =	sor.u32 $0xD0000000, s2;
	s6 =	simm.s32 $0x108;
	_ =	swait.ge @!p0 [sflag:s8], $0x0  }
0x24: {  	s3 =	sadd.s32 $0x88, s3;
	s6 =	simm.s32 @!p1 $0x1082;
	[sflag:s4] =	ssyncset.s32 $0xFFFFF086  }
0x25: {  	[simem:s6], [sflag:s4] =	dma.local [hbm:s3], $0xF7A  }
0x26: {  	[smem:$0x3F9C] =	sst s1;
	(tag) =	ssettag s2;
	_ =	strace s9  }
0x27: {  	s1 =	sld [smem:$0x3FAC]  }
0x28: {  	s2 =	sld [smem:$0x3FAD]  }
0x29: {  	s4 =	sld [smem:$0x3FAF]  }
0x2a: {  	p0 =	seq.s32 s5, $0x0;
	s5 =	sld [smem:$0x3FB0]  }
0x2b: {  	s6 =	sld [smem:$0x3FB1]  }
0x2c: {  	s7 =	sld [smem:$0x3FB2]  }
0x2d: {  	s3 =	simm.s32 $0x108;
	s8 =	sld [smem:$0x3FB3]  }
0x2e: {  	s3 =	simm.s32 @!p0 $0x1082;
	s9 =	sld [smem:$0x3FB4]  }
0x2f: {  	lr =	sadd.s32 s0, s3;
	s0 =	sld [smem:$0x3FAB]  }
0x30: {  	s3 =	sld [smem:$0x3FAE]  }
0x31: {  	[smem:$0x3FB7] =	sst s10  }
0x32: {  	s10 =	sld [smem:$0x3FB5];
	_ =	sdelay $0x3  }
0x33: {  	p0 =	seq.s32 s10, $0x1;
	s10 =	sld [smem:$0x3FB7];
	_ =	sdelay $0x3  }
0x34: {  	[smem:$0x3FB7] =	sst s10  }
0x35: {  	s10 =	sld [smem:$0x3FB6];
	_ =	sdelay $0x3  }
0x36: {  	p1 =	seq.s32 s10, $0x1;
	s10 =	sld [smem:$0x3FB7];
	_ =	sdelay $0x3  }
0x37: {  	[smem:$0x3FB7] =	sst s10  }
0x38: {  	s10 =	sld [smem:$0x3FB8]  }
0x39: {  	_ = 	snop;
	(pc) =	sbr.ind lr, $3  }
0x3a: {  	_ = 	snop  }
0x3b: {  	_ = 	snop  }
0x3c: {  	p2 =	seq.s32 s10, $0x1;
	s10 =	sld [smem:$0x3FB7]  }
0x3d: {  	_ =	shalt  }
0x3e: {  	_ =	shalt  }
0x3f: {  	_ =	shalt  }
0x40: {  	_ =	shalt  }
0x41: {  	_ =	shalt  }
0x42: {  	_ =	shalt  }
0x43: {  	_ =	shalt  }
0x44: {  	_ =	shalt  }
0x45: {  	_ =	shalt  }
0x46: {  	_ =	shalt  }
0x47: {  	_ =	shalt  }
0x48: {  	_ =	shalt  }
0x49: {  	_ =	shalt  }
0x4a: {  	_ =	shalt  }
0x4b: {  	_ =	shalt  }
0x4c: {  	_ =	shalt  }
0x4d: {  	_ =	shalt  }
0x4e: {  	_ =	shalt  }
0x4f: {  	_ =	shalt  }
0x50: {  	_ =	shalt  }
0x51: {  	_ =	shalt  }
0x52: {  	_ =	shalt  }
0x53: {  	_ =	shalt  }
0x54: {  	_ =	shalt  }
0x55: {  	_ =	shalt  }
0x56: {  	_ =	shalt  }
0x57: {  	_ =	shalt  }
0x58: {  	_ =	shalt  }
0x59: {  	_ =	shalt  }
0x5a: {  	_ =	shalt  }
0x5b: {  	_ =	shalt  }
0x5c: {  	_ =	shalt  }
0x5d: {  	_ =	shalt  }
0x5e: {  	_ =	shalt  }
0x5f: {  	_ =	shalt  }
0x60: {  	_ =	shalt  }
0x61: {  	_ =	shalt  }
0x62: {  	_ =	shalt  }
0x63: {  	_ =	shalt  }
0x64: {  	_ =	shalt  }
0x65: {  	_ =	shalt  }
0x66: {  	_ =	shalt  }
0x67: {  	_ =	shalt  }
0x68: {  	_ =	shalt  }
0x69: {  	_ =	shalt  }
0x6a: {  	_ =	shalt  }
0x6b: {  	_ =	shalt  }
0x6c: {  	_ =	shalt  }
0x6d: {  	_ =	shalt  }
0x6e: {  	_ =	shalt  }
0x6f: {  	_ =	shalt  }
0x70: {  	_ =	shalt  }
0x71: {  	_ =	shalt  }
0x72: {  	_ =	shalt  }
0x73: {  	_ =	shalt  }
0x74: {  	_ =	shalt  }
0x75: {  	_ =	shalt  }
0x76: {  	_ =	shalt  }
0x77: {  	_ =	shalt  }
0x78: {  	_ =	shalt  }
0x79: {  	_ =	shalt  }
0x7a: {  	_ =	shalt  }
0x7b: {  	_ =	shalt  }
0x7c: {  	_ =	shalt  }
0x7d: {  	_ =	shalt  }
0x7e: {  	_ =	shalt  }
0x7f: {  	_ =	shalt  }
0x80: {  	_ =	shalt  }
0x81: {  	_ =	shalt  }
0x82: {  	_ =	shalt  }
0x83: {  	_ =	shalt  }
0x84: {  	_ =	shalt  }
0x85: {  	_ =	shalt  }
0x86: {  	_ =	shalt  }
0x87: {  	_ =	shalt  }
.Lfunc_end0:
.L_simem_size_0:
called_computation_lowered:
.L_overlay_start_0:
0x88: {  	s2 =	sld [smem:$0x3FD9]  }
0x89: {  	s3 =	sld [smem:$0x3FFE];
	_ =	sdelay $0x1  }
0x8a: {  	s1 =	srdreg.scid  }
0x8b: {  	s0 =	sand.u32 $0x1, s1  }
0x8c: {  	s15 =	sshll.u32 s0, $0xA;
	s2 =	sadd.s32 s3, s2  }
0x8d: {  	s2 =	sadd.s32 s2, s15  }
0x8e: {  	[smem:$0x3FC3] =	sst s2  }
0x8f: {  	_ = 	snop  }
0x90: {  	s2 =	sld [smem:$0x3FD0];
	_ =	sdelay $0x2  }
0x91: {  	s4 =	simm.s32 $0xA;
	s5 =	simm.s32 $0x10;
	s16 =	sld [smem:$0x3FC6]  }
0x92: {  	[smem:s5], [sflag:s4] =	dma.local [hbm:s2], $0x1  }
0x93: {  	_ =	swait.eq [sflag:s4], $0x1  }
0x94: {  	[sflag:s4] =	ssyncset.done $0x0  }
0x95: {  	[sflag:s4] =	ssyncadd.s32 $0xFFFFFFFF  }
0x96: {  	s17 =	sld [smem:$0x13];
	(tm) =	ssettm $0x1  }
0x97: {  	s18 =	sld [smem:$0x3FFB];
	_ =	sdelay $0x3  }
0x98: {  	_ =	strace s18  }
0x99: {  	s4 =	sld [smem:$0x3FFC];
	_ =	sdelay $0x3  }
0x9a: {  	_ =	strace s4  }
0x9b: {  	s4 =	sld [smem:$0x3FFD];
	_ =	sdelay $0x3  }
0x9c: {  	_ =	strace s4  }
0x9d: {  	_ =	strace $0x8FFFFFFF  }
0x9e: {  	s19 =	sld [smem:$0x3FDB];
	_ =	sdelay $0x1  }
0x9f: {  	s20 =	simm.s32 $_scs_section_size  }
0xa0: {  	s6 =	simm.s32 $_size__tile_overlayer_lowered;
	s7 =	simm.s32 $_tile_overlayer_lowered  }
0xa1: {  	s23 =	simm.s32 $0x1BFF;
	s22 =	sshll.u32 s7, $0x1;
	s4 =	sadd.s32 s20, s19  }
0xa2: {  	s8 =	simm.s32 $0x0;
	s21 =	sshll.u32 s6, $0x1;
	s6 =	sadd.s32 s22, s4  }
0xa3: {  	[timem:s8], [sflag:s23] =	dma.local [hbm:s6], s21  }
0xa4: {  	_ =	swait.ge [sflag:s23], s21  }
0xa5: {  	s5 =	ssub.s32 $0x0, s21;
	[sflag:s23] =	ssyncset.done $0x0  }
0xa6: {  	[sflag:s23] =	ssyncadd.s32 s5;
	_ =	sdelay $0x1  }
0xa7: {  	s24 =	simm.s32 $0x1B8B  }
0xa8: {  	_ =	swait.ge [sflag:s24], $0x1  }
0xa9: {  	[sflag:s24] =	ssyncset.done $0x0  }
0xaa: {  	s25 =	simm.s32 $0x1B8E;
	[sflag:s24] =	ssyncadd.s32 $0xFFFFFFFF  }
0xab: {  	s26 =	simm.s32 $execute0_lowered;
	[smem:$0x3FD2] =	sst s25  }
0xac: {  	s5 =	sshll.u32 s26, $0x1;
	_ =	strace $0x80000046;
	[dreg:$0x1] =	wrdreg $0xFFFFFFFF  }
0xad: {  	s28 =	simm.s32 $_size_execute0_lowered;
	s4 =	sadd.s32 s4, s5;
	[dreg:$0x0] =	wrdreg $0x0  }
0xae: {  	s5 =	sshll.u32 s28, $0x1;
	[dreg:$0x2] =	wrdreg s4  }
0xaf: {  	[dreg:$0x3] =	wrdreg s5  }
0xb0: {  	[dreg:$0x4] =	wrdreg $0xC0  }
0xb1: {  	_ =	task [dreg:s8], $0x5FFFF  }
0xb2: {  	[dreg:$0x1] =	wrdreg $0xFFFFFFFF  }
0xb3: {  	[dreg:$0x0] =	wrdreg $0x60  }
0xb4: {  	[dreg:$0x2] =	wrdreg s16  }
0xb5: {  	[dreg:$0x3] =	wrdreg s17  }
0xb6: {  	[dreg:$0x4] =	wrdreg $0x9  }
0xb7: {  	_ =	task.clear_ibuf [dreg:s8], $0x5FFFF;
	_ =	strace $0x90000046  }
0xb8: {  	s29 =	simm.s32 $0x9;
	_ =	strace $0x80000048  }
0xb9: {  	_ =	swait.ge [sflag:s29], $0x1  }
0xba: {  	[sflag:s29] =	ssyncadd.s32 $0xFFFFFFFF  }
0xbb: {  	_ =	strace $0x90000048  }
0xbc: {  	_ =	sfence  }
0xbd: {  	s30 =	sld [smem:$0x0];
	_ =	sdelay $0x2  }
0xbe: {  	s31 =	sshll.u32 s1, $0xD;
	s1 =	sshrl.u32 s1, $0x2  }
0xbf: {  	s3 =	sand.u32 $0x4000, s31;
	s1 =	sadd.s32 s1, s30  }
0xc0: {  	s0 =	sor.u32 s3, s0;
	s1 =	sshll.u32 s1, $0x11  }
0xc1: {  	s0 =	sor.u32 s1, s0  }
0xc2: {  	s0 =	sadd.s32 $0x8F2B, s0  }
0xc3: {  	[sflag:s0] =	ssyncadd.remote.s32 $0x1  }
0xc4: {  	_ =	sfence.sel $0xFFFF  }
0xc5: {  	[dreg:$0x0] =	wrdreg $0xFFFFFFFF;
	(pc) =	sbr.abs _section_cstart, $3  }
0xc6: {  	[dreg:$0x1] =	wrdreg $0xFFFFFFFF  }
0xc7: {  	_ =	task.clear_ibuf [dreg:s8], $0x2FFFF;
	_ =	strace $0x9FFFFFFF  }
0xc8: {  	(tm) =	ssettm $0x7FFFFFFF  }
0xc9: {  	_ =	shalt  }
tec
execute0_lowered:
.L_overlay_start_1:
0x0: {  	(tag) =	ssettag $0x1  }
0x1: {  	s1 =	srdreg.scid  }
0x2: {  	s0 =	stileid.u32;
	s8 =	rddreg [dreg:$0x0]  }
0x3: {  	s10 =	rddreg [dreg:$0x1];
	s2 =	simm.s32 $0x0;
	s14 =	simm.s32 $0xC800  }
0x4: {  	s15 =	simm.s32 $0x2;
	s3 =	sand.u32 $0x1, s1;
	s31 =	sshll.u32 s0, $0x1  }
0x5: {  	s16 =	simm.s32 $0x12C00;
	s17 =	simm.s32 $0x3;
	s4 =	sor.u32 s3, s31  }
0x6: {  	s18 =	simm.s32 $0x4;
	s3 =	ssub.s32 $0x2, s3;
	s4 =	smul.u32 $0x19000, s4  }
0x7: {  	s19 =	simm.s32 $0x0;
	s1 =	rddreg [dreg:$0x2];
	s5 =	sshrl.u32 s3, $0x1  }
0x8: {  	[smem:$0x7FF] =	sst s2;
	s11 =	ssub.s32 s3, s5;
	s9 =	sshrl.u32 s4, $0x3  }
0x9: {  	_ =	strace $0x80000047;
	s11 =	smax.u32 s11, $0x1;
	s3 =	sadd.s32 s8, s9  }
0xa: {  	s7 =	sadd.s32 $0xC80, s9;
	s5 =	sadd.s32 s10, s9;
	s12 =	sadd.s32 $0x1900, s9  }
0xb: {  	s13 =	sadd.s32 $0x2580, s9;
	s4 =	sadd.s32 s8, s7;
	s6 =	sadd.s32 s8, s12  }
0xc: {  	s7 =	sadd.s32 s10, s7;
	s8 =	sadd.s32 s8, s13;
	s9 =	sadd.s32 s10, s12  }
0xd: {  	s10 =	sadd.s32 s10, s13;
	s12 =	simm.s32 $0x6400;
	s13 =	simm.s32 $0x1  }
.LBB2_1:
0xe: {  	[tilespmem:s2], [sflag:$0x1] =	stream.linear.gather [hbm4b:s3+s2], $0x6400, $0x38;
	[tilespmem:$0x19000] =	vst v63  }
0xf: {  	_ = 	snop  }
0x10: {  	[tilespmem:s12], [sflag:$0x2] =	stream.linear.gather [hbm4b:s4+s2], $0x6400, $0x38;
	[tilespmem:$0x19000] =	vst v63  }
0x11: {  	_ =	swait.ge [sflag:s13], $0x6400  }
0x12: {  	[sflag:s13] =	ssyncset.done $0x0  }
0x13: {  	s20 =	simm.s32 $0x40;
	[sflag:s13] =	ssyncadd.s32 $0xFFFF9C00  }
0x14: {  	v7 =	vld [tilespmem:s20+$0x30]  }
0x15: {  	v5 =	vld [tilespmem:s20+$0xFFFFFFD0]  }
0x16: {  	v3 =	vld [tilespmem:s20+$0xFFFFFFE0]  }
0x17: {  	v1 =	vld [tilespmem:s20+$0xFFFFFFF0]  }
0x18: {  	v0 =	vld [tilespmem:s20+$0x0]  }
0x19: {  	v2 =	vld [tilespmem:s20+$0x10]  }
0x1a: {  	v4 =	vld [tilespmem:s20+$0x20]  }
0x1b: {  	v6 =	vld [tilespmem:s20+$0xFFFFFFC0]  }
0x1c: {  	v8 =	vcvt.s32.f32 v7  }
0x1d: {  	v9 =	vcvt.s32.f32 v5;
	v10 =	vcvt.s32.f32 v3  }
0x1e: {  	v11 =	vcvt.s32.f32 v1;
	v12 =	vcvt.s32.f32 v0  }
0x1f: {  	v13 =	vcvt.s32.f32 v2;
	v14 =	vcvt.s32.f32 v4  }
0x20: {  	v15 =	vcvt.s32.f32 v6;
	v8 =	vmul.f32 $9.999997700e-07, v8  }
0x21: {  	v9 =	vmul.f32 $9.999997700e-07, v9;
	v10 =	vmul.f32 $9.999997700e-07, v10  }
0x22: {  	v11 =	vmul.f32 $9.999997700e-07, v11;
	v12 =	vmul.f32 $9.999997700e-07, v12  }
0x23: {  	v13 =	vmul.f32 $9.999997700e-07, v13;
	v15 =	vmul.f32 $9.999997700e-07, v15  }
0x24: {  	v14 =	vmul.f32 $9.999997700e-07, v14;
	v8 =	vtrunc.f32 v8  }
0x25: {  	v9 =	vtrunc.f32 v9;
	v8 =	vcvt.f32.s32 v8  }
0x26: {  	v10 =	vtrunc.f32 v10;
	v15 =	vtrunc.f32 v15  }
0x27: {  	v11 =	vtrunc.f32 v11;
	v14 =	vtrunc.f32 v14;
	v8 =	vmul.u32 $0xFFF0BDC0, v8  }
0x28: {  	v15 =	vcvt.f32.s32 v15;
	v16 =	vcvt.f32.s32 v9  }
0x29: {  	v9 =	vcvt.f32.s32 v10;
	v10 =	vcvt.f32.s32 v11;
	v7 =	vadd.s32 v7, v8  }
0x2a: {  	v8 =	vtrunc.f32 v12;
	v12 =	vtrunc.f32 v13;
	v13 =	vadd.s32 $0xFFF0BDC0, v7  }
0x2b: {  	s20 =	simm.s32 $0xC840;
	v11 =	vcvt.f32.s32 v8;
	v8 =	vmul.u32 $0xFFF0BDC0, v16;
	v13 =	vmin.u32 v7, v13  }
0x2c: {  	s22 =	simm.s32 $0x0;
	s23 =	simm.s32 $0xC0;
	s21 =	simm.s32 $0xC840;
	v12 =	vcvt.f32.s32 v12;
	v7 =	vmul.u32 $0xFFF0BDC0, v15;
	[tilespmem:s20+$0x30] =	vst v13;
	v13 =	vcvt.f32.s32 v14  }
.LBB2_2:
0x2d: {  	v14 =	vld [tilespmem:s23+$0x30];
	s22 =	sadd.s32 $0x80, s22;
	v9 =	vmul.u32 $0xFFF0BDC0, v9;
	v10 =	vmul.u32 $0xFFF0BDC0, v10;
	v11 =	vmul.u32 $0xFFF0BDC0, v11  }
0x2e: {  	v7 =	vadd.s32 v6, v7;
	v15 =	vld [tilespmem:s23+$0xFFFFFFD0];
	p0 =	slt.u32 s22, $0x6380;
	v6 =	vmul.u32 $0xFFF0BDC0, v12;
	v12 =	vmul.u32 $0xFFF0BDC0, v13  }
0x2f: {  	v8 =	vadd.s32 v5, v8;
	v9 =	vadd.s32 v3, v9;
	v3 =	vld [tilespmem:s23+$0xFFFFFFE0];
	v10 =	vadd.s32 v1, v10  }
0x30: {  	v11 =	vadd.s32 v0, v11;
	v1 =	vld [tilespmem:s23+$0xFFFFFFF0];
	v13 =	vadd.s32 v2, v6;
	v12 =	vadd.s32 v4, v12  }
0x31: {  	v16 =	vadd.s32 $0xFFF0BDC0, v7;
	v17 =	vadd.s32 $0xFFF0BDC0, v8;
	v18 =	vadd.s32 $0xFFF0BDC0, v9;
	v0 =	vld [tilespmem:s23+$0x0]  }
0x32: {  	v20 =	vadd.s32 $0xFFF0BDC0, v10;
	v21 =	vadd.s32 $0xFFF0BDC0, v11;
	v2 =	vld [tilespmem:s23+$0x10];
	v19 =	vcvt.s32.f32 v14  }
0x33: {  	v23 =	vadd.s32 $0xFFF0BDC0, v13;
	v24 =	vadd.s32 $0xFFF0BDC0, v12;
	v22 =	vcvt.s32.f32 v15;
	v4 =	vld [tilespmem:s23+$0x20];
	v5 =	vmovc v15  }
0x34: {  	v7 =	vmin.u32 v7, v16;
	v6 =	vld [tilespmem:s23+$0xFFFFFFC0];
	v15 =	vcvt.s32.f32 v3;
	v19 =	vmul.f32 $9.999997700e-07, v19  }
0x35: {  	v16 =	vmul.f32 $9.999997700e-07, v22;
	v22 =	vcvt.s32.f32 v1;
	[tilespmem:s20+$0xFFFFFFC0] =	vst v7;
	v7 =	vmin.u32 v8, v17  }
0x36: {  	v8 =	vcvt.s32.f32 v0;
	v17 =	vtrunc.f32 v19;
	[tilespmem:s20+$0xFFFFFFD0] =	vst v7;
	v7 =	vmin.u32 v9, v18  }
0x37: {  	v9 =	vcvt.s32.f32 v2;
	v17 =	vcvt.f32.s32 v17;
	[tilespmem:s20+$0xFFFFFFE0] =	vst v7;
	v7 =	vmin.u32 v10, v20  }
0x38: {  	v10 =	vmul.f32 $9.999997700e-07, v15;
	v15 =	vcvt.s32.f32 v4;
	[tilespmem:s20+$0xFFFFFFF0] =	vst v7;
	v7 =	vmin.u32 v11, v21  }
0x39: {  	v18 =	vmul.f32 $9.999997700e-07, v22;
	v11 =	vcvt.s32.f32 v6;
	v17 =	vmul.u32 $0xFFF0BDC0, v17;
	[tilespmem:s20+$0x0] =	vst v7  }
0x3a: {  	v7 =	vmul.f32 $9.999997700e-07, v8;
	v8 =	vmul.f32 $9.999997700e-07, v9;
	v9 =	vmin.u32 v13, v23  }
0x3b: {  	v13 =	vmul.f32 $9.999997700e-07, v15;
	v11 =	vmul.f32 $9.999997700e-07, v11;
	v14 =	vadd.s32 v14, v17;
	[tilespmem:s20+$0x10] =	vst v9  }
0x3c: {  	v10 =	vtrunc.f32 v10;
	v9 =	vtrunc.f32 v16;
	v15 =	vadd.s32 $0xFFF0BDC0, v14  }
0x3d: {  	v16 =	vtrunc.f32 v18;
	s20 =	sadd.s32 $0x80, s20;
	v11 =	vtrunc.f32 v11;
	v14 =	vmin.u32 v14, v15  }
.Ltmp0:
0x3e: {  	v17 =	vtrunc.f32 v8;
	v15 =	vtrunc.f32 v7;
	v7 =	vmin.u32 v12, v24;
	[tilespmem:s20+$0x30] =	vst v14;
	(pc) =	sbr.rel @p0 .LBB2_2-.Ltmp0, $4  }
0x3f: {  	v13 =	vtrunc.f32 v13;
	v8 =	vcvt.f32.s32 v11;
	[tilespmem:s21+$0x20] =	vst v7;
	s21 =	smov.u32 s20  }
0x40: {  	v12 =	vcvt.f32.s32 v9;
	v9 =	vcvt.f32.s32 v10  }
0x41: {  	v10 =	vcvt.f32.s32 v16;
	v11 =	vcvt.f32.s32 v15;
	v7 =	vmul.u32 $0xFFF0BDC0, v8  }
0x42: {  	s23 =	sadd.s32 $0x80, s23;
	v13 =	vcvt.f32.s32 v13;
	v8 =	vmul.u32 $0xFFF0BDC0, v12;
	v12 =	vcvt.f32.s32 v17  }
0x43: {  	v9 =	vmul.u32 $0xFFF0BDC0, v9;
	v10 =	vmul.u32 $0xFFF0BDC0, v10  }
0x44: {  	v11 =	vmul.u32 $0xFFF0BDC0, v11;
	v6 =	vadd.s32 v6, v7;
	v7 =	vmul.u32 $0xFFF0BDC0, v12  }
0x45: {  	v12 =	vmul.u32 $0xFFF0BDC0, v13;
	v5 =	vadd.s32 v5, v8;
	v8 =	vadd.s32 $0xFFF0BDC0, v6  }
0x46: {  	v3 =	vadd.s32 v3, v9;
	v9 =	vadd.s32 $0xFFF0BDC0, v5;
	v6 =	vmin.u32 v6, v8  }
0x47: {  	v1 =	vadd.s32 v1, v10;
	v8 =	vadd.s32 $0xFFF0BDC0, v3;
	[tilespmem:s20+$0xFFFFFFC0] =	vst v6;
	v5 =	vmin.u32 v5, v9  }
0x48: {  	v0 =	vadd.s32 v0, v11;
	v6 =	vadd.s32 $0xFFF0BDC0, v1;
	[tilespmem:s20+$0xFFFFFFD0] =	vst v5;
	v3 =	vmin.u32 v3, v8  }
0x49: {  	v2 =	vadd.s32 v2, v7;
	v5 =	vadd.s32 $0xFFF0BDC0, v0;
	v1 =	vmin.u32 v1, v6;
	[tilespmem:s20+$0xFFFFFFE0] =	vst v3  }
0x4a: {  	v3 =	vadd.s32 v4, v12;
	v4 =	vadd.s32 $0xFFF0BDC0, v2;
	[tilespmem:s20+$0xFFFFFFF0] =	vst v1;
	v0 =	vmin.u32 v0, v5  }
0x4b: {  	v1 =	vadd.s32 $0xFFF0BDC0, v3;
	[tilespmem:s20+$0x0] =	vst v0;
	v0 =	vmin.u32 v2, v4  }
0x4c: {  	[tilespmem:s20+$0x10] =	vst v0;
	v0 =	vmin.u32 v3, v1  }
0x4d: {  	[tilespmem:s21+$0x20] =	vst v0  }
0x4e: {  	[hbm4b:s5+s2] =	stream.linear.scatter [tilespmem:s14], [sflag:$0x3], $0x6400, $0x38;
	[tilespmem:$0x19000] =	vst v63  }
0x4f: {  	_ = 	snop  }
0x50: {  	[tilespmem:s2], [sflag:$0x1] =	stream.linear.gather [hbm4b:s6+s2], $0x6400, $0x38;
	[tilespmem:$0x19000] =	vst v63  }
0x51: {  	_ =	swait.ge [sflag:s15], $0x6400  }
0x52: {  	[sflag:s15] =	ssyncset.done $0x0  }
0x53: {  	s31 =	simm.s32 $0x6440;
	[sflag:s15] =	ssyncadd.s32 $0xFFFF9C00  }
0x54: {  	v7 =	vld [tilespmem:s31+$0x30]  }
0x55: {  	v5 =	vld [tilespmem:s31+$0xFFFFFFD0]  }
0x56: {  	v3 =	vld [tilespmem:s31+$0xFFFFFFE0]  }
0x57: {  	v1 =	vld [tilespmem:s31+$0xFFFFFFF0]  }
0x58: {  	v0 =	vld [tilespmem:s31+$0x0]  }
0x59: {  	v2 =	vld [tilespmem:s31+$0x10]  }
0x5a: {  	v4 =	vld [tilespmem:s31+$0x20]  }
0x5b: {  	v6 =	vld [tilespmem:s31+$0xFFFFFFC0]  }
0x5c: {  	v8 =	vcvt.s32.f32 v7  }
0x5d: {  	v9 =	vcvt.s32.f32 v5;
	v10 =	vcvt.s32.f32 v3  }
0x5e: {  	v11 =	vcvt.s32.f32 v1;
	v12 =	vcvt.s32.f32 v0  }
0x5f: {  	v13 =	vcvt.s32.f32 v2;
	v14 =	vcvt.s32.f32 v4  }
0x60: {  	v15 =	vcvt.s32.f32 v6;
	v8 =	vmul.f32 $9.999997700e-07, v8  }
0x61: {  	v9 =	vmul.f32 $9.999997700e-07, v9;
	v10 =	vmul.f32 $9.999997700e-07, v10  }
0x62: {  	v11 =	vmul.f32 $9.999997700e-07, v11;
	v12 =	vmul.f32 $9.999997700e-07, v12  }
0x63: {  	v13 =	vmul.f32 $9.999997700e-07, v13;
	v15 =	vmul.f32 $9.999997700e-07, v15  }
0x64: {  	v14 =	vmul.f32 $9.999997700e-07, v14;
	v8 =	vtrunc.f32 v8  }
0x65: {  	v9 =	vtrunc.f32 v9;
	v8 =	vcvt.f32.s32 v8  }
0x66: {  	v10 =	vtrunc.f32 v10;
	v15 =	vtrunc.f32 v15  }
0x67: {  	v11 =	vtrunc.f32 v11;
	v14 =	vtrunc.f32 v14;
	v8 =	vmul.u32 $0xFFF0BDC0, v8  }
0x68: {  	v15 =	vcvt.f32.s32 v15;
	v16 =	vcvt.f32.s32 v9  }
0x69: {  	v9 =	vcvt.f32.s32 v10;
	v10 =	vcvt.f32.s32 v11;
	v7 =	vadd.s32 v7, v8  }
0x6a: {  	v8 =	vtrunc.f32 v12;
	v12 =	vtrunc.f32 v13;
	v13 =	vadd.s32 $0xFFF0BDC0, v7  }
0x6b: {  	s20 =	simm.s32 $0x12C40;
	v11 =	vcvt.f32.s32 v8;
	v8 =	vmul.u32 $0xFFF0BDC0, v16;
	v13 =	vmin.u32 v7, v13  }
0x6c: {  	s22 =	simm.s32 $0x0;
	s23 =	simm.s32 $0x64C0;
	s21 =	simm.s32 $0x12C40;
	v12 =	vcvt.f32.s32 v12;
	v7 =	vmul.u32 $0xFFF0BDC0, v15;
	[tilespmem:s20+$0x30] =	vst v13;
	v13 =	vcvt.f32.s32 v14  }
.LBB2_4:
0x6d: {  	v14 =	vld [tilespmem:s23+$0x30];
	s22 =	sadd.s32 $0x80, s22;
	v9 =	vmul.u32 $0xFFF0BDC0, v9;
	v10 =	vmul.u32 $0xFFF0BDC0, v10;
	v11 =	vmul.u32 $0xFFF0BDC0, v11  }
0x6e: {  	v7 =	vadd.s32 v6, v7;
	v15 =	vld [tilespmem:s23+$0xFFFFFFD0];
	p0 =	slt.u32 s22, $0x6380;
	v6 =	vmul.u32 $0xFFF0BDC0, v12;
	v12 =	vmul.u32 $0xFFF0BDC0, v13  }
0x6f: {  	v8 =	vadd.s32 v5, v8;
	v9 =	vadd.s32 v3, v9;
	v3 =	vld [tilespmem:s23+$0xFFFFFFE0];
	v10 =	vadd.s32 v1, v10  }
0x70: {  	v11 =	vadd.s32 v0, v11;
	v1 =	vld [tilespmem:s23+$0xFFFFFFF0];
	v13 =	vadd.s32 v2, v6;
	v12 =	vadd.s32 v4, v12  }
0x71: {  	v16 =	vadd.s32 $0xFFF0BDC0, v7;
	v17 =	vadd.s32 $0xFFF0BDC0, v8;
	v18 =	vadd.s32 $0xFFF0BDC0, v9;
	v0 =	vld [tilespmem:s23+$0x0]  }
0x72: {  	v20 =	vadd.s32 $0xFFF0BDC0, v10;
	v21 =	vadd.s32 $0xFFF0BDC0, v11;
	v2 =	vld [tilespmem:s23+$0x10];
	v19 =	vcvt.s32.f32 v14  }
0x73: {  	v23 =	vadd.s32 $0xFFF0BDC0, v13;
	v24 =	vadd.s32 $0xFFF0BDC0, v12;
	v22 =	vcvt.s32.f32 v15;
	v4 =	vld [tilespmem:s23+$0x20];
	v5 =	vmovc v15  }
0x74: {  	v7 =	vmin.u32 v7, v16;
	v6 =	vld [tilespmem:s23+$0xFFFFFFC0];
	v15 =	vcvt.s32.f32 v3;
	v19 =	vmul.f32 $9.999997700e-07, v19  }
0x75: {  	v16 =	vmul.f32 $9.999997700e-07, v22;
	v22 =	vcvt.s32.f32 v1;
	[tilespmem:s20+$0xFFFFFFC0] =	vst v7;
	v7 =	vmin.u32 v8, v17  }
0x76: {  	v8 =	vcvt.s32.f32 v0;
	v17 =	vtrunc.f32 v19;
	[tilespmem:s20+$0xFFFFFFD0] =	vst v7;
	v7 =	vmin.u32 v9, v18  }
0x77: {  	v9 =	vcvt.s32.f32 v2;
	v17 =	vcvt.f32.s32 v17;
	[tilespmem:s20+$0xFFFFFFE0] =	vst v7;
	v7 =	vmin.u32 v10, v20  }
0x78: {  	v10 =	vmul.f32 $9.999997700e-07, v15;
	v15 =	vcvt.s32.f32 v4;
	[tilespmem:s20+$0xFFFFFFF0] =	vst v7;
	v7 =	vmin.u32 v11, v21  }
0x79: {  	v18 =	vmul.f32 $9.999997700e-07, v22;
	v11 =	vcvt.s32.f32 v6;
	v17 =	vmul.u32 $0xFFF0BDC0, v17;
	[tilespmem:s20+$0x0] =	vst v7  }
0x7a: {  	v7 =	vmul.f32 $9.999997700e-07, v8;
	v8 =	vmul.f32 $9.999997700e-07, v9;
	v9 =	vmin.u32 v13, v23  }
0x7b: {  	v13 =	vmul.f32 $9.999997700e-07, v15;
	v11 =	vmul.f32 $9.999997700e-07, v11;
	v14 =	vadd.s32 v14, v17;
	[tilespmem:s20+$0x10] =	vst v9  }
0x7c: {  	v10 =	vtrunc.f32 v10;
	v9 =	vtrunc.f32 v16;
	v15 =	vadd.s32 $0xFFF0BDC0, v14  }
0x7d: {  	v16 =	vtrunc.f32 v18;
	s20 =	sadd.s32 $0x80, s20;
	v11 =	vtrunc.f32 v11;
	v14 =	vmin.u32 v14, v15  }
.Ltmp1:
0x7e: {  	v17 =	vtrunc.f32 v8;
	v15 =	vtrunc.f32 v7;
	v7 =	vmin.u32 v12, v24;
	[tilespmem:s20+$0x30] =	vst v14;
	(pc) =	sbr.rel @p0 .LBB2_4-.Ltmp1, $4  }
0x7f: {  	v13 =	vtrunc.f32 v13;
	v8 =	vcvt.f32.s32 v11;
	[tilespmem:s21+$0x20] =	vst v7;
	s21 =	smov.u32 s20  }
0x80: {  	v12 =	vcvt.f32.s32 v9;
	v9 =	vcvt.f32.s32 v10  }
0x81: {  	v10 =	vcvt.f32.s32 v16;
	v11 =	vcvt.f32.s32 v15;
	v7 =	vmul.u32 $0xFFF0BDC0, v8  }
0x82: {  	s23 =	sadd.s32 $0x80, s23;
	v13 =	vcvt.f32.s32 v13;
	v8 =	vmul.u32 $0xFFF0BDC0, v12;
	v12 =	vcvt.f32.s32 v17  }
0x83: {  	v9 =	vmul.u32 $0xFFF0BDC0, v9;
	v10 =	vmul.u32 $0xFFF0BDC0, v10  }
0x84: {  	v11 =	vmul.u32 $0xFFF0BDC0, v11;
	v6 =	vadd.s32 v6, v7;
	v7 =	vmul.u32 $0xFFF0BDC0, v12  }
0x85: {  	v12 =	vmul.u32 $0xFFF0BDC0, v13;
	v5 =	vadd.s32 v5, v8;
	v8 =	vadd.s32 $0xFFF0BDC0, v6  }
0x86: {  	v3 =	vadd.s32 v3, v9;
	v9 =	vadd.s32 $0xFFF0BDC0, v5;
	v6 =	vmin.u32 v6, v8  }
0x87: {  	v1 =	vadd.s32 v1, v10;
	v8 =	vadd.s32 $0xFFF0BDC0, v3;
	[tilespmem:s20+$0xFFFFFFC0] =	vst v6;
	v5 =	vmin.u32 v5, v9  }
0x88: {  	v0 =	vadd.s32 v0, v11;
	v6 =	vadd.s32 $0xFFF0BDC0, v1;
	[tilespmem:s20+$0xFFFFFFD0] =	vst v5;
	v3 =	vmin.u32 v3, v8  }
0x89: {  	v2 =	vadd.s32 v2, v7;
	v5 =	vadd.s32 $0xFFF0BDC0, v0;
	v1 =	vmin.u32 v1, v6;
	[tilespmem:s20+$0xFFFFFFE0] =	vst v3  }
0x8a: {  	v3 =	vadd.s32 v4, v12;
	v4 =	vadd.s32 $0xFFF0BDC0, v2;
	[tilespmem:s20+$0xFFFFFFF0] =	vst v1;
	v0 =	vmin.u32 v0, v5  }
0x8b: {  	v1 =	vadd.s32 $0xFFF0BDC0, v3;
	[tilespmem:s20+$0x0] =	vst v0;
	v0 =	vmin.u32 v2, v4  }
0x8c: {  	[tilespmem:s20+$0x10] =	vst v0;
	v0 =	vmin.u32 v3, v1  }
0x8d: {  	[tilespmem:s21+$0x20] =	vst v0  }
0x8e: {  	[hbm4b:s7+s2] =	stream.linear.scatter [tilespmem:s16], [sflag:$0x4], $0x6400, $0x38;
	[tilespmem:$0x19000] =	vst v63  }
0x8f: {  	_ = 	snop  }
0x90: {  	[tilespmem:s12], [sflag:$0x2] =	stream.linear.gather [hbm4b:s8+s2], $0x6400, $0x38;
	[tilespmem:$0x19000] =	vst v63  }
0x91: {  	_ =	swait.ge [sflag:s13], $0x6400  }
0x92: {  	[sflag:s13] =	ssyncset.done $0x0  }
0x93: {  	[sflag:s13] =	ssyncadd.s32 $0xFFFF9C00  }
0x94: {  	_ =	swait.ge [sflag:s17], $0x6400  }
0x95: {  	[sflag:s17] =	ssyncset.done $0x0  }
0x96: {  	s31 =	simm.s32 $0x40;
	[sflag:s17] =	ssyncadd.s32 $0xFFFF9C00  }
0x97: {  	v7 =	vld [tilespmem:s31+$0x30]  }
0x98: {  	v5 =	vld [tilespmem:s31+$0xFFFFFFD0]  }
0x99: {  	v3 =	vld [tilespmem:s31+$0xFFFFFFE0]  }
0x9a: {  	v1 =	vld [tilespmem:s31+$0xFFFFFFF0]  }
0x9b: {  	v0 =	vld [tilespmem:s31+$0x0]  }
0x9c: {  	v2 =	vld [tilespmem:s31+$0x10]  }
0x9d: {  	v4 =	vld [tilespmem:s31+$0x20]  }
0x9e: {  	v6 =	vld [tilespmem:s31+$0xFFFFFFC0]  }
0x9f: {  	v8 =	vcvt.s32.f32 v7  }
0xa0: {  	v9 =	vcvt.s32.f32 v5;
	v10 =	vcvt.s32.f32 v3  }
0xa1: {  	v11 =	vcvt.s32.f32 v1;
	v12 =	vcvt.s32.f32 v0  }
0xa2: {  	v13 =	vcvt.s32.f32 v2;
	v14 =	vcvt.s32.f32 v4  }
0xa3: {  	v15 =	vcvt.s32.f32 v6;
	v8 =	vmul.f32 $9.999997700e-07, v8  }
0xa4: {  	v9 =	vmul.f32 $9.999997700e-07, v9;
	v10 =	vmul.f32 $9.999997700e-07, v10  }
0xa5: {  	v11 =	vmul.f32 $9.999997700e-07, v11;
	v12 =	vmul.f32 $9.999997700e-07, v12  }
0xa6: {  	v13 =	vmul.f32 $9.999997700e-07, v13;
	v15 =	vmul.f32 $9.999997700e-07, v15  }
0xa7: {  	v14 =	vmul.f32 $9.999997700e-07, v14;
	v8 =	vtrunc.f32 v8  }
0xa8: {  	v9 =	vtrunc.f32 v9;
	v8 =	vcvt.f32.s32 v8  }
0xa9: {  	v10 =	vtrunc.f32 v10;
	v15 =	vtrunc.f32 v15  }
0xaa: {  	v11 =	vtrunc.f32 v11;
	v14 =	vtrunc.f32 v14;
	v8 =	vmul.u32 $0xFFF0BDC0, v8  }
0xab: {  	v15 =	vcvt.f32.s32 v15;
	v16 =	vcvt.f32.s32 v9  }
0xac: {  	v9 =	vcvt.f32.s32 v10;
	v10 =	vcvt.f32.s32 v11;
	v7 =	vadd.s32 v7, v8  }
0xad: {  	v8 =	vtrunc.f32 v12;
	v12 =	vtrunc.f32 v13;
	v13 =	vadd.s32 $0xFFF0BDC0, v7  }
0xae: {  	s20 =	simm.s32 $0xC840;
	v11 =	vcvt.f32.s32 v8;
	v8 =	vmul.u32 $0xFFF0BDC0, v16;
	v13 =	vmin.u32 v7, v13  }
0xaf: {  	s22 =	simm.s32 $0x0;
	s23 =	simm.s32 $0xC0;
	s21 =	simm.s32 $0xC840;
	v12 =	vcvt.f32.s32 v12;
	v7 =	vmul.u32 $0xFFF0BDC0, v15;
	[tilespmem:s20+$0x30] =	vst v13;
	v13 =	vcvt.f32.s32 v14  }
.LBB2_6:
0xb0: {  	v14 =	vld [tilespmem:s23+$0x30];
	s22 =	sadd.s32 $0x80, s22;
	v9 =	vmul.u32 $0xFFF0BDC0, v9;
	v10 =	vmul.u32 $0xFFF0BDC0, v10;
	v11 =	vmul.u32 $0xFFF0BDC0, v11  }
0xb1: {  	v7 =	vadd.s32 v6, v7;
	v15 =	vld [tilespmem:s23+$0xFFFFFFD0];
	p0 =	slt.u32 s22, $0x6380;
	v6 =	vmul.u32 $0xFFF0BDC0, v12;
	v12 =	vmul.u32 $0xFFF0BDC0, v13  }
0xb2: {  	v8 =	vadd.s32 v5, v8;
	v9 =	vadd.s32 v3, v9;
	v3 =	vld [tilespmem:s23+$0xFFFFFFE0];
	v10 =	vadd.s32 v1, v10  }
0xb3: {  	v11 =	vadd.s32 v0, v11;
	v1 =	vld [tilespmem:s23+$0xFFFFFFF0];
	v13 =	vadd.s32 v2, v6;
	v12 =	vadd.s32 v4, v12  }
0xb4: {  	v16 =	vadd.s32 $0xFFF0BDC0, v7;
	v17 =	vadd.s32 $0xFFF0BDC0, v8;
	v18 =	vadd.s32 $0xFFF0BDC0, v9;
	v0 =	vld [tilespmem:s23+$0x0]  }
0xb5: {  	v20 =	vadd.s32 $0xFFF0BDC0, v10;
	v21 =	vadd.s32 $0xFFF0BDC0, v11;
	v2 =	vld [tilespmem:s23+$0x10];
	v19 =	vcvt.s32.f32 v14  }
0xb6: {  	v23 =	vadd.s32 $0xFFF0BDC0, v13;
	v24 =	vadd.s32 $0xFFF0BDC0, v12;
	v22 =	vcvt.s32.f32 v15;
	v4 =	vld [tilespmem:s23+$0x20];
	v5 =	vmovc v15  }
0xb7: {  	v7 =	vmin.u32 v7, v16;
	v6 =	vld [tilespmem:s23+$0xFFFFFFC0];
	v15 =	vcvt.s32.f32 v3;
	v19 =	vmul.f32 $9.999997700e-07, v19  }
0xb8: {  	v16 =	vmul.f32 $9.999997700e-07, v22;
	v22 =	vcvt.s32.f32 v1;
	[tilespmem:s20+$0xFFFFFFC0] =	vst v7;
	v7 =	vmin.u32 v8, v17  }
0xb9: {  	v8 =	vcvt.s32.f32 v0;
	v17 =	vtrunc.f32 v19;
	[tilespmem:s20+$0xFFFFFFD0] =	vst v7;
	v7 =	vmin.u32 v9, v18  }
0xba: {  	v9 =	vcvt.s32.f32 v2;
	v17 =	vcvt.f32.s32 v17;
	[tilespmem:s20+$0xFFFFFFE0] =	vst v7;
	v7 =	vmin.u32 v10, v20  }
0xbb: {  	v10 =	vmul.f32 $9.999997700e-07, v15;
	v15 =	vcvt.s32.f32 v4;
	[tilespmem:s20+$0xFFFFFFF0] =	vst v7;
	v7 =	vmin.u32 v11, v21  }
0xbc: {  	v18 =	vmul.f32 $9.999997700e-07, v22;
	v11 =	vcvt.s32.f32 v6;
	v17 =	vmul.u32 $0xFFF0BDC0, v17;
	[tilespmem:s20+$0x0] =	vst v7  }
0xbd: {  	v7 =	vmul.f32 $9.999997700e-07, v8;
	v8 =	vmul.f32 $9.999997700e-07, v9;
	v9 =	vmin.u32 v13, v23  }
0xbe: {  	v13 =	vmul.f32 $9.999997700e-07, v15;
	v11 =	vmul.f32 $9.999997700e-07, v11;
	v14 =	vadd.s32 v14, v17;
	[tilespmem:s20+$0x10] =	vst v9  }
0xbf: {  	v10 =	vtrunc.f32 v10;
	v9 =	vtrunc.f32 v16;
	v15 =	vadd.s32 $0xFFF0BDC0, v14  }
0xc0: {  	v16 =	vtrunc.f32 v18;
	s20 =	sadd.s32 $0x80, s20;
	v11 =	vtrunc.f32 v11;
	v14 =	vmin.u32 v14, v15  }
.Ltmp2:
0xc1: {  	v17 =	vtrunc.f32 v8;
	v15 =	vtrunc.f32 v7;
	v7 =	vmin.u32 v12, v24;
	[tilespmem:s20+$0x30] =	vst v14;
	(pc) =	sbr.rel @p0 .LBB2_6-.Ltmp2, $4  }
0xc2: {  	v13 =	vtrunc.f32 v13;
	v8 =	vcvt.f32.s32 v11;
	[tilespmem:s21+$0x20] =	vst v7;
	s21 =	smov.u32 s20  }
0xc3: {  	v12 =	vcvt.f32.s32 v9;
	v9 =	vcvt.f32.s32 v10  }
0xc4: {  	v10 =	vcvt.f32.s32 v16;
	v11 =	vcvt.f32.s32 v15;
	v7 =	vmul.u32 $0xFFF0BDC0, v8  }
0xc5: {  	s23 =	sadd.s32 $0x80, s23;
	v13 =	vcvt.f32.s32 v13;
	v8 =	vmul.u32 $0xFFF0BDC0, v12;
	v12 =	vcvt.f32.s32 v17  }
0xc6: {  	v9 =	vmul.u32 $0xFFF0BDC0, v9;
	v10 =	vmul.u32 $0xFFF0BDC0, v10  }
0xc7: {  	v11 =	vmul.u32 $0xFFF0BDC0, v11;
	v6 =	vadd.s32 v6, v7;
	v7 =	vmul.u32 $0xFFF0BDC0, v12  }
0xc8: {  	v12 =	vmul.u32 $0xFFF0BDC0, v13;
	v5 =	vadd.s32 v5, v8;
	v8 =	vadd.s32 $0xFFF0BDC0, v6  }
0xc9: {  	v3 =	vadd.s32 v3, v9;
	v9 =	vadd.s32 $0xFFF0BDC0, v5;
	v6 =	vmin.u32 v6, v8  }
0xca: {  	v1 =	vadd.s32 v1, v10;
	v8 =	vadd.s32 $0xFFF0BDC0, v3;
	[tilespmem:s20+$0xFFFFFFC0] =	vst v6;
	v5 =	vmin.u32 v5, v9  }
0xcb: {  	v0 =	vadd.s32 v0, v11;
	v6 =	vadd.s32 $0xFFF0BDC0, v1;
	[tilespmem:s20+$0xFFFFFFD0] =	vst v5;
	v3 =	vmin.u32 v3, v8  }
0xcc: {  	v2 =	vadd.s32 v2, v7;
	v5 =	vadd.s32 $0xFFF0BDC0, v0;
	v1 =	vmin.u32 v1, v6;
	[tilespmem:s20+$0xFFFFFFE0] =	vst v3  }
0xcd: {  	v3 =	vadd.s32 v4, v12;
	v4 =	vadd.s32 $0xFFF0BDC0, v2;
	[tilespmem:s20+$0xFFFFFFF0] =	vst v1;
	v0 =	vmin.u32 v0, v5  }
0xce: {  	v1 =	vadd.s32 $0xFFF0BDC0, v3;
	[tilespmem:s20+$0x0] =	vst v0;
	v0 =	vmin.u32 v2, v4  }
0xcf: {  	[tilespmem:s20+$0x10] =	vst v0;
	v0 =	vmin.u32 v3, v1  }
0xd0: {  	[tilespmem:s21+$0x20] =	vst v0  }
0xd1: {  	[hbm4b:s9+s2] =	stream.linear.scatter [tilespmem:s14], [sflag:$0x3], $0x6400, $0x38;
	[tilespmem:$0x19000] =	vst v63  }
0xd2: {  	_ =	swait.ge [sflag:s15], $0x6400  }
0xd3: {  	[sflag:s15] =	ssyncset.done $0x0  }
0xd4: {  	[sflag:s15] =	ssyncadd.s32 $0xFFFF9C00  }
0xd5: {  	_ =	swait.ge [sflag:s18], $0x6400  }
0xd6: {  	[sflag:s18] =	ssyncset.done $0x0  }
0xd7: {  	s31 =	simm.s32 $0x6440;
	[sflag:s18] =	ssyncadd.s32 $0xFFFF9C00  }
0xd8: {  	v7 =	vld [tilespmem:s31+$0x30]  }
0xd9: {  	v5 =	vld [tilespmem:s31+$0xFFFFFFD0]  }
0xda: {  	v3 =	vld [tilespmem:s31+$0xFFFFFFE0]  }
0xdb: {  	v1 =	vld [tilespmem:s31+$0xFFFFFFF0]  }
0xdc: {  	v0 =	vld [tilespmem:s31+$0x0]  }
0xdd: {  	v2 =	vld [tilespmem:s31+$0x10]  }
0xde: {  	v4 =	vld [tilespmem:s31+$0x20]  }
0xdf: {  	v6 =	vld [tilespmem:s31+$0xFFFFFFC0]  }
0xe0: {  	v8 =	vcvt.s32.f32 v7  }
0xe1: {  	v9 =	vcvt.s32.f32 v5;
	v10 =	vcvt.s32.f32 v3  }
0xe2: {  	v11 =	vcvt.s32.f32 v1;
	v12 =	vcvt.s32.f32 v0  }
0xe3: {  	v13 =	vcvt.s32.f32 v2;
	v14 =	vcvt.s32.f32 v4  }
0xe4: {  	v15 =	vcvt.s32.f32 v6;
	v8 =	vmul.f32 $9.999997700e-07, v8  }
0xe5: {  	v9 =	vmul.f32 $9.999997700e-07, v9;
	v10 =	vmul.f32 $9.999997700e-07, v10  }
0xe6: {  	v11 =	vmul.f32 $9.999997700e-07, v11;
	v12 =	vmul.f32 $9.999997700e-07, v12  }
0xe7: {  	v13 =	vmul.f32 $9.999997700e-07, v13;
	v15 =	vmul.f32 $9.999997700e-07, v15  }
0xe8: {  	v14 =	vmul.f32 $9.999997700e-07, v14;
	v8 =	vtrunc.f32 v8  }
0xe9: {  	v9 =	vtrunc.f32 v9;
	v8 =	vcvt.f32.s32 v8  }
0xea: {  	v10 =	vtrunc.f32 v10;
	v15 =	vtrunc.f32 v15  }
0xeb: {  	v11 =	vtrunc.f32 v11;
	v14 =	vtrunc.f32 v14;
	v8 =	vmul.u32 $0xFFF0BDC0, v8  }
0xec: {  	v15 =	vcvt.f32.s32 v15;
	v16 =	vcvt.f32.s32 v9  }
0xed: {  	v9 =	vcvt.f32.s32 v10;
	v10 =	vcvt.f32.s32 v11;
	v7 =	vadd.s32 v7, v8  }
0xee: {  	v8 =	vtrunc.f32 v12;
	v12 =	vtrunc.f32 v13;
	v13 =	vadd.s32 $0xFFF0BDC0, v7  }
0xef: {  	s20 =	simm.s32 $0x12C40;
	v11 =	vcvt.f32.s32 v8;
	v8 =	vmul.u32 $0xFFF0BDC0, v16;
	v13 =	vmin.u32 v7, v13  }
0xf0: {  	s22 =	simm.s32 $0x0;
	s23 =	simm.s32 $0x64C0;
	s21 =	simm.s32 $0x12C40;
	v12 =	vcvt.f32.s32 v12;
	v7 =	vmul.u32 $0xFFF0BDC0, v15;
	[tilespmem:s20+$0x30] =	vst v13;
	v13 =	vcvt.f32.s32 v14  }
.LBB2_8:
0xf1: {  	v14 =	vld [tilespmem:s23+$0x30];
	s22 =	sadd.s32 $0x80, s22;
	v9 =	vmul.u32 $0xFFF0BDC0, v9;
	v10 =	vmul.u32 $0xFFF0BDC0, v10;
	v11 =	vmul.u32 $0xFFF0BDC0, v11  }
0xf2: {  	v7 =	vadd.s32 v6, v7;
	v15 =	vld [tilespmem:s23+$0xFFFFFFD0];
	p0 =	slt.u32 s22, $0x6380;
	v6 =	vmul.u32 $0xFFF0BDC0, v12;
	v12 =	vmul.u32 $0xFFF0BDC0, v13  }
0xf3: {  	v8 =	vadd.s32 v5, v8;
	v9 =	vadd.s32 v3, v9;
	v3 =	vld [tilespmem:s23+$0xFFFFFFE0];
	v10 =	vadd.s32 v1, v10  }
0xf4: {  	v11 =	vadd.s32 v0, v11;
	v1 =	vld [tilespmem:s23+$0xFFFFFFF0];
	v13 =	vadd.s32 v2, v6;
	v12 =	vadd.s32 v4, v12  }
0xf5: {  	v16 =	vadd.s32 $0xFFF0BDC0, v7;
	v17 =	vadd.s32 $0xFFF0BDC0, v8;
	v18 =	vadd.s32 $0xFFF0BDC0, v9;
	v0 =	vld [tilespmem:s23+$0x0]  }
0xf6: {  	v20 =	vadd.s32 $0xFFF0BDC0, v10;
	v21 =	vadd.s32 $0xFFF0BDC0, v11;
	v2 =	vld [tilespmem:s23+$0x10];
	v19 =	vcvt.s32.f32 v14  }
0xf7: {  	v23 =	vadd.s32 $0xFFF0BDC0, v13;
	v24 =	vadd.s32 $0xFFF0BDC0, v12;
	v22 =	vcvt.s32.f32 v15;
	v4 =	vld [tilespmem:s23+$0x20];
	v5 =	vmovc v15  }
0xf8: {  	v7 =	vmin.u32 v7, v16;
	v6 =	vld [tilespmem:s23+$0xFFFFFFC0];
	v15 =	vcvt.s32.f32 v3;
	v19 =	vmul.f32 $9.999997700e-07, v19  }
0xf9: {  	v16 =	vmul.f32 $9.999997700e-07, v22;
	v22 =	vcvt.s32.f32 v1;
	[tilespmem:s20+$0xFFFFFFC0] =	vst v7;
	v7 =	vmin.u32 v8, v17  }
0xfa: {  	v8 =	vcvt.s32.f32 v0;
	v17 =	vtrunc.f32 v19;
	[tilespmem:s20+$0xFFFFFFD0] =	vst v7;
	v7 =	vmin.u32 v9, v18  }
0xfb: {  	v9 =	vcvt.s32.f32 v2;
	v17 =	vcvt.f32.s32 v17;
	[tilespmem:s20+$0xFFFFFFE0] =	vst v7;
	v7 =	vmin.u32 v10, v20  }
0xfc: {  	v10 =	vmul.f32 $9.999997700e-07, v15;
	v15 =	vcvt.s32.f32 v4;
	[tilespmem:s20+$0xFFFFFFF0] =	vst v7;
	v7 =	vmin.u32 v11, v21  }
0xfd: {  	v18 =	vmul.f32 $9.999997700e-07, v22;
	v11 =	vcvt.s32.f32 v6;
	v17 =	vmul.u32 $0xFFF0BDC0, v17;
	[tilespmem:s20+$0x0] =	vst v7  }
0xfe: {  	v7 =	vmul.f32 $9.999997700e-07, v8;
	v8 =	vmul.f32 $9.999997700e-07, v9;
	v9 =	vmin.u32 v13, v23  }
0xff: {  	v13 =	vmul.f32 $9.999997700e-07, v15;
	v11 =	vmul.f32 $9.999997700e-07, v11;
	v14 =	vadd.s32 v14, v17;
	[tilespmem:s20+$0x10] =	vst v9  }
0x100: {  	v10 =	vtrunc.f32 v10;
	v9 =	vtrunc.f32 v16;
	v15 =	vadd.s32 $0xFFF0BDC0, v14  }
0x101: {  	v16 =	vtrunc.f32 v18;
	s20 =	sadd.s32 $0x80, s20;
	v11 =	vtrunc.f32 v11;
	v14 =	vmin.u32 v14, v15  }
.Ltmp3:
0x102: {  	v17 =	vtrunc.f32 v8;
	v15 =	vtrunc.f32 v7;
	v7 =	vmin.u32 v12, v24;
	[tilespmem:s20+$0x30] =	vst v14;
	(pc) =	sbr.rel @p0 .LBB2_8-.Ltmp3, $4  }
0x103: {  	v13 =	vtrunc.f32 v13;
	v8 =	vcvt.f32.s32 v11;
	[tilespmem:s21+$0x20] =	vst v7;
	s21 =	smov.u32 s20  }
0x104: {  	v12 =	vcvt.f32.s32 v9;
	v9 =	vcvt.f32.s32 v10  }
0x105: {  	v10 =	vcvt.f32.s32 v16;
	v11 =	vcvt.f32.s32 v15;
	v7 =	vmul.u32 $0xFFF0BDC0, v8  }
0x106: {  	s23 =	sadd.s32 $0x80, s23;
	v13 =	vcvt.f32.s32 v13;
	v8 =	vmul.u32 $0xFFF0BDC0, v12;
	v12 =	vcvt.f32.s32 v17  }
0x107: {  	v9 =	vmul.u32 $0xFFF0BDC0, v9;
	v10 =	vmul.u32 $0xFFF0BDC0, v10  }
0x108: {  	v11 =	vmul.u32 $0xFFF0BDC0, v11;
	v6 =	vadd.s32 v6, v7;
	v52 =	vmul.u32 $0xFFF0BDC0, v12  }
0x109: {  	v53 =	vmul.u32 $0xFFF0BDC0, v13;
	v5 =	vadd.s32 v5, v8;
	v54 =	vadd.s32 $0xFFF0BDC0, v6  }
0x10a: {  	v3 =	vadd.s32 v3, v9;
	v55 =	vadd.s32 $0xFFF0BDC0, v5;
	v6 =	vmin.u32 v6, v54  }
0x10b: {  	v1 =	vadd.s32 v1, v10;
	v56 =	vadd.s32 $0xFFF0BDC0, v3;
	[tilespmem:s20+$0xFFFFFFC0] =	vst v6;
	v5 =	vmin.u32 v5, v55  }
0x10c: {  	v0 =	vadd.s32 v0, v11;
	v57 =	vadd.s32 $0xFFF0BDC0, v1;
	[tilespmem:s20+$0xFFFFFFD0] =	vst v5;
	v3 =	vmin.u32 v3, v56  }
0x10d: {  	v2 =	vadd.s32 v2, v52;
	v58 =	vadd.s32 $0xFFF0BDC0, v0;
	v1 =	vmin.u32 v1, v57;
	[tilespmem:s20+$0xFFFFFFE0] =	vst v3  }
0x10e: {  	v59 =	vadd.s32 v4, v53;
	v60 =	vadd.s32 $0xFFF0BDC0, v2;
	v0 =	vmin.u32 v0, v58;
	[tilespmem:s20+$0xFFFFFFF0] =	vst v1  }
0x10f: {  	v61 =	vadd.s32 $0xFFF0BDC0, v59;
	[tilespmem:s20+$0x0] =	vst v0;
	v62 =	vmin.u32 v2, v60  }
0x110: {  	v63 =	vmin.u32 v59, v61;
	[tilespmem:s20+$0x10] =	vst v62  }
0x111: {  	s19 =	sadd.s32 $0x1, s19;
	[tilespmem:s21+$0x20] =	vst v63  }
0x112: {  	[hbm4b:s10+s2] =	stream.linear.scatter [tilespmem:s16], [sflag:$0x4], $0x6400, $0x38;
	[tilespmem:$0x19000] =	vst v63  }
0x113: {  	p0 =	sne.s32 s19, s11;
	_ =	swait.ge [sflag:s17], $0x6400  }
.Ltmp4:
0x114: {  	[sflag:s17] =	ssyncset.done $0x0;
	(pc) =	sbr.rel @p0 .LBB2_1-.Ltmp4, $4  }
0x115: {  	[sflag:s17] =	ssyncadd.s32 $0xFFFF9C00  }
0x116: {  	_ =	swait.ge [sflag:s18], $0x6400  }
0x117: {  	[sflag:s18] =	ssyncset.done $0x0  }
0x118: {  	[sflag:s18] =	ssyncadd.s32 $0xFFFF9C00  }
0x119: {  	_ =	sfence.sel $0x180000  }
0x11a: {  	[bflag:$0x0] =	sbarrier.arrive $0xFFFF  }
0x11b: {  	p0 =	sne.s32 s0, $0x0;
	_ =	strace $0x90000047  }
0x11c: {  	s0 =	sadd.s32 @!p0 $0x100000, s1;
	[bflag:$0x2] =	sbarrier.arrive $0xFFFF  }
0x11d: {  	[sflag:s0] =	ssyncadd.tile.s32 @!p0 $0x1;
	_ =	shalt  }
.Lfunc_end2:
_tile_overlayer_lowered:
.L_overlay_start_2:
0x11e: {  	(tag) =	ssettag $0x2  }
0x11f: {  	s0 =	rddreg [dreg:$0x0];
	s2 =	stileid.u32  }
0x120: {  	s1 =	rddreg [dreg:$0x1];
	p0 =	sne.s32 s2, $0x0  }
0x121: {  	s3 =	rddreg [dreg:$0x2];
	[bflag:$0x3] =	sbarrier.arrive $0xFFFF;
	s2 =	simm.s32 @!p0 $0x1C05  }
0x122: {  	[timem:s3], [sflag:s2] =	dma.local @!p0 [hbm:s0], s1  }
0x123: {  	s0 =	simm.s32 @!p0 $0x5  }
0x124: {  	_ =	swait.ge @!p0 [sflag:s0], s1  }
0x125: {  	s1 =	ssub.s32 @!p0 $0x0, s1;
	[sflag:s0] =	ssyncset.done @!p0 $0x0  }
0x126: {  	[sflag:s0] =	ssyncadd.s32 @!p0 s1  }
0x127: {  	[bflag:$0x3] =	sbarrier.arrive $0xFFFF  }
0x128: {  	_ =	shalt  }

</sc_bundles>
